<compile_context>
chip_gen: v7x
topology: tpu7x:2x2x1
jax: 0.10.2.dev20260603
libtpu: 0.0.44.dev20260713+nightly
codegen_flags: <defaults>
</compile_context>

<pallas_src>
import functools

import jax
import jax.numpy as jnp
from jax import lax
from jax.experimental import pallas as pl
from jax.experimental.pallas import tpu as pltpu
from jax.experimental.pallas import tpu_sc as plsc

_B = 16384
_SEQ = 200
_H = 256
_NC = 2
_NS = 16
_NW = _NC * _NS
_RPW = _B // _NW
_C0 = 104
_C1 = 96
_VPH = _H // 16


def _sc_pool_body(x_hbm, p_hbm, out_hbm, idx0, idx1, buf00, buf01, buf10,
                  buf11, stage0, stage1, s_idx, sg0, sg1, so0, so1):
    wid = lax.axis_index("s") * _NC + lax.axis_index("c")
    base = wid * _RPW
    sets = (
        (idx0, buf00, buf01, stage0, sg0, so0),
        (idx1, buf10, buf11, stage1, sg1, so1),
    )

    def gather_pair(p):
        idx, b0, b1, _, sg, _ = sets[p]
        c0 = pltpu.make_async_copy(p_hbm.at[idx.at[pl.ds(0, _C0)]], b0, sg)
        c1 = pltpu.make_async_copy(p_hbm.at[idx.at[pl.ds(_C0, _C1)]], b1, sg)
        return c0, c1

    def accum(buf, n, acc):
        def step(g, a):
            return tuple(a[i] + buf[g, pl.ds(i * 16, 16)]
                         for i in range(_VPH))
        return lax.fori_loop(0, n, step, acc)

    def store_wait(p, b):
        _, _, _, stage, _, so = sets[p]
        pltpu.make_async_copy(stage, out_hbm.at[b], so).wait()

    def process(p, b, first_guard):
        idx, b0, b1, stage, sg, so = sets[p]
        c0, c1 = gather_pair(p)
        c0.wait()
        c1.wait()

        @pl.when(b + 2 < _RPW)
        def _():
            pltpu.async_copy(x_hbm.at[base + b + 2], idx, s_idx)
        zero = jnp.zeros((16,), jnp.float32)
        acc = tuple(zero for _ in range(_VPH))
        acc = accum(b0, _C0, acc)
        acc = accum(b1, _C1, acc)

        @pl.when(first_guard)
        def _():
            store_wait(p, base + b)
        for i in range(_VPH):
            stage[pl.ds(i * 16, 16)] = acc[i]
        pltpu.async_copy(stage, out_hbm.at[base + b], so)

    pltpu.sync_copy(x_hbm.at[base], idx0)
    c0, c1 = gather_pair(0)
    c0.start()
    c1.start()
    pltpu.async_copy(x_hbm.at[base + 1], idx1, s_idx)

    def loop_body(r2, carry):
        a = 2 * r2
        pltpu.make_async_copy(x_hbm.at[base + a + 1], idx1, s_idx).wait()
        g0, g1 = gather_pair(1)
        g0.start()
        g1.start()
        process(0, a, r2 >= 1)
        @pl.when(a + 2 < _RPW)
        def _():
            pltpu.make_async_copy(x_hbm.at[base + a + 2], idx0, s_idx).wait()
            n0, n1 = gather_pair(0)
            n0.start()
            n1.start()
        process(1, a + 1, r2 >= 1)
        return carry

    lax.fori_loop(0, _RPW // 2, loop_body, 0)
    store_wait(0, base + _RPW - 2)
    store_wait(1, base + _RPW - 1)


def _sc_gather_sum(x, p):
    mesh = plsc.VectorSubcoreMesh(core_axis_name="c", subcore_axis_name="s")
    f = pl.kernel(
        _sc_pool_body,
        out_type=jax.ShapeDtypeStruct((_B, _H), jnp.float32),
        mesh=mesh,
        scratch_types=[
            pltpu.VMEM((_SEQ,), jnp.int32),
            pltpu.VMEM((_SEQ,), jnp.int32),
            pltpu.VMEM((_C0, _H), jnp.float32),
            pltpu.VMEM((_C1, _H), jnp.float32),
            pltpu.VMEM((_C0, _H), jnp.float32),
            pltpu.VMEM((_C1, _H), jnp.float32),
            pltpu.VMEM((_H,), jnp.float32),
            pltpu.VMEM((_H,), jnp.float32),
            pltpu.SemaphoreType.DMA,
            pltpu.SemaphoreType.DMA,
            pltpu.SemaphoreType.DMA,
            pltpu.SemaphoreType.DMA,
            pltpu.SemaphoreType.DMA,
        ],
    )
    return f(x, p)


def _proj_kernel(t_ref, w_ref, o_ref):
    o_ref[...] = jnp.dot(t_ref[...], w_ref[...],
                         preferred_element_type=jnp.float32)


def _project(table, w1):
    v, d = table.shape
    h = w1.shape[1]
    blk = 2048
    nblk = (v + blk - 1) // blk
    return pl.pallas_call(
        _proj_kernel,
        grid=(nblk,),
        in_specs=[
            pl.BlockSpec((blk, d), lambda i: (i, 0)),
            pl.BlockSpec((d, h), lambda i: (0, 0)),
        ],
        out_specs=pl.BlockSpec((blk, h), lambda i: (i, 0)),
        out_shape=jax.ShapeDtypeStruct((v, h), jnp.float32),
    )(table, w1)


def _stats_kernel(hs_ref, s1_ref, s2_ref):
    @pl.when(pl.program_id(0) == 0)
    def _():
        s1_ref[...] = jnp.zeros_like(s1_ref)
        s2_ref[...] = jnp.zeros_like(s2_ref)
    blk = hs_ref[...]
    s1_ref[...] += jnp.sum(blk, axis=0, keepdims=True)
    s2_ref[...] += jnp.sum(blk * blk, axis=0, keepdims=True)


def _batch_stats(hsum):
    nblk = 32
    blk = _B // nblk
    return pl.pallas_call(
        _stats_kernel,
        grid=(nblk,),
        in_specs=[pl.BlockSpec((blk, _H), lambda i: (i, 0))],
        out_specs=[
            pl.BlockSpec((1, _H), lambda i: (0, 0)),
            pl.BlockSpec((1, _H), lambda i: (0, 0)),
        ],
        out_shape=[
            jax.ShapeDtypeStruct((1, _H), jnp.float32),
            jax.ShapeDtypeStruct((1, _H), jnp.float32),
        ],
    )(hsum)


def _apply_kernel(hs_ref, s1_ref, s2_ref, b1_ref, g_ref, be_ref, w2_ref,
                  b2_ref, o_ref):
    inv_b = 1.0 / _B
    inv_s = 1.0 / _SEQ
    m1 = s1_ref[...] * inv_b
    var_hs = s2_ref[...] * inv_b - m1 * m1
    inv_std = lax.rsqrt(var_hs * (inv_s * inv_s) + 1e-5)
    scale = g_ref[...] * inv_std * inv_s
    hn = (hs_ref[...] - m1) * scale + be_ref[...]
    hr = jnp.maximum(hn, 0.0)
    o_ref[...] = jnp.dot(hr, w2_ref[...],
                         preferred_element_type=jnp.float32) + b2_ref[...]


def _finish(hsum, s1, s2, b1, gamma, beta, w2, b2):
    nblk = 16
    blk = _B // nblk
    nlab = w2.shape[1]
    row = lambda i: (0, 0)
    return pl.pallas_call(
        _apply_kernel,
        grid=(nblk,),
        in_specs=[
            pl.BlockSpec((blk, _H), lambda i: (i, 0)),
            pl.BlockSpec((1, _H), row),
            pl.BlockSpec((1, _H), row),
            pl.BlockSpec((1, _H), row),
            pl.BlockSpec((1, _H), row),
            pl.BlockSpec((1, _H), row),
            pl.BlockSpec((_H, nlab), row),
            pl.BlockSpec((1, nlab), row),
        ],
        out_specs=pl.BlockSpec((blk, nlab), lambda i: (i, 0)),
        out_shape=jax.ShapeDtypeStruct((_B, nlab), jnp.float32),
    )(hsum, s1, s2, b1, gamma, beta, w2, b2)


def kernel(x, table, W1, b1, gamma, beta, W2, b2):
    p = _project(table, W1)
    hsum = _sc_gather_sum(x, p)
    s1, s2 = _batch_stats(hsum)
    return _finish(hsum, s1, s2, b1.reshape(1, _H), gamma.reshape(1, _H),
                   beta.reshape(1, _H), W2, b2.reshape(1, -1))

# --- scband reference (transcript-rebuilt; emitter-appended) ---
"""Pipeline reference for scband-fast-text-19301583028553 (READ-ONLY COPY).

The authoritative reference and input builder live on the scoring server;
editing this copy changes nothing except your own understanding.
"""

import jax, jax.numpy as jnp
import numpy as np

NUM_EMB = 95811
VEC_DIM = 300
HIDDEN = 256
LABELS = 4
BATCH = 16384
SEQ = 200


def setup_inputs(seed: int = 0) -> dict:
    key = jax.random.key(seed)
    ks = jax.random.split(key, 8)
    x = jax.random.randint(ks[0], (BATCH, SEQ), 0, NUM_EMB, dtype=jnp.int64 if jax.config.jax_enable_x64 else jnp.int32).astype(jnp.int32)
    table = jax.random.normal(ks[1], (NUM_EMB, VEC_DIM), dtype=jnp.float32) * 0.02
    W1 = jax.random.normal(ks[2], (VEC_DIM, HIDDEN), dtype=jnp.float32) * (1.0 / np.sqrt(VEC_DIM))
    b1 = jnp.zeros((HIDDEN,), dtype=jnp.float32)
    gamma = jnp.ones((HIDDEN,), dtype=jnp.float32)
    beta = jnp.zeros((HIDDEN,), dtype=jnp.float32)
    W2 = jax.random.normal(ks[3], (HIDDEN, LABELS), dtype=jnp.float32) * (1.0 / np.sqrt(HIDDEN))
    b2 = jnp.zeros((LABELS,), dtype=jnp.float32)
    return {"x": x, "table": table, "W1": W1, "b1": b1, "gamma": gamma, "beta": beta, "W2": W2, "b2": b2}


def reference(x, table, W1, b1, gamma, beta, W2, b2):
    # embedding lookup: [B, L, vec_dim]
    emb = jnp.take(table, x, axis=0)
    # mean over sequence dim
    m = jnp.mean(emb, axis=1)
    # Linear(vec_dim, hidden)
    h = m @ W1 + b1
    # BatchNorm1d in training mode: normalize with batch statistics (biased var)
    mu = jnp.mean(h, axis=0)
    var = jnp.var(h, axis=0)
    hn = (h - mu) / jnp.sqrt(var + 1e-5) * gamma + beta
    # ReLU
    hr = jnp.maximum(hn, 0.0)
    # Linear(hidden, label_size)
    out = hr @ W2 + b2
    return out

if __name__ == "__main__":
    import jax
    _d = setup_inputs()
    print(jax.jit(kernel)(*tuple(_d.values())))

</pallas_src>

<mosaic_0001>
#map = affine_map<(d0, d1) -> (0, 0)>
module attributes {stable_mosaic.version = 14 : i64} {
  func.func @_sc_pool_body(%arg0: i32, %arg1: i32, %arg2: memref<16384x200xi32, #tpu.memory_space<hbm>>, %arg3: memref<95811x256xf32, #tpu.memory_space<hbm>>, %arg4: memref<16384x256xf32, #tpu.memory_space<hbm>>, %arg5: memref<200xi32, #tpu.memory_space<vmem>>, %arg6: memref<200xi32, #tpu.memory_space<vmem>>, %arg7: memref<104x256xf32, #tpu.memory_space<vmem>>, %arg8: memref<96x256xf32, #tpu.memory_space<vmem>>, %arg9: memref<104x256xf32, #tpu.memory_space<vmem>>, %arg10: memref<96x256xf32, #tpu.memory_space<vmem>>, %arg11: memref<256xf32, #tpu.memory_space<vmem>>, %arg12: memref<256xf32, #tpu.memory_space<vmem>>, %arg13: memref<!tpu.dma_semaphore, #tpu.memory_space<semaphore_mem>>, %arg14: memref<!tpu.dma_semaphore, #tpu.memory_space<semaphore_mem>>, %arg15: memref<!tpu.dma_semaphore, #tpu.memory_space<semaphore_mem>>, %arg16: memref<!tpu.dma_semaphore, #tpu.memory_space<semaphore_mem>>, %arg17: memref<!tpu.dma_semaphore, #tpu.memory_space<semaphore_mem>>) attributes {dimension_semantics = [#tpu.dimension_semantics<core_parallel>, #tpu.dimension_semantics<subcore_parallel>], iteration_bounds = array<i64: 2, 16>, scalar_prefetch = 0 : i64, scratch_operands = 13 : i64, tpu.core_type = #tpu.core_type<sc_vector_subcore>, window_params = [{transform_indices = #map}, {transform_indices = #map}, {transform_indices = #map}]} {
    %mul3A = arith.constant 2 : i32
    %mul3A_0 = arith.muli %arg1, %mul3A : i32
    %add3A = arith.addi %mul3A_0, %arg0 : i32
    %mul3A_1 = arith.constant 512 : i32
    %mul3A_2 = arith.muli %add3A, %mul3A_1 : i32
    "tpu.region"() ({
      %run_scoped3A = tpu.sem_alloc : memref<!tpu.dma_semaphore, #tpu.memory_space<semaphore_mem>>
      %dma_start3A_43 = arith.constant 0 : i32
      %dma_start3A_44 = tpu.memref_slice %arg2[%mul3A_2, %dma_start3A_43] : memref<16384x200xi32, #tpu.memory_space<hbm>> -> memref<1x200xi32, #tpu.memory_space<hbm>>
      %dma_start3A_45 = tpu.memref_squeeze %dma_start3A_44 : memref<1x200xi32, #tpu.memory_space<hbm>> -> memref<200xi32, #tpu.memory_space<hbm>>
      %dma_start3A_46 = arith.constant 0 : i32
      %dma_start3A_47 = tpu.memref_slice %arg2[%mul3A_2, %dma_start3A_46] : memref<16384x200xi32, #tpu.memory_space<hbm>> -> memref<1x200xi32, #tpu.memory_space<hbm>>
      %dma_start3A_48 = tpu.memref_squeeze %dma_start3A_47 : memref<1x200xi32, #tpu.memory_space<hbm>> -> memref<200xi32, #tpu.memory_space<hbm>>
      tpu.enqueue_dma source(%dma_start3A_48 : memref<200xi32, #tpu.memory_space<hbm>>) target(%arg5 : memref<200xi32, #tpu.memory_space<vmem>>) target_semaphore(%run_scoped3A : memref<!tpu.dma_semaphore, #tpu.memory_space<semaphore_mem>>)
      %dma_wait3A_49 = arith.constant 0 : i32
      %dma_wait3A_50 = tpu.memref_slice %arg2[%mul3A_2, %dma_wait3A_49] : memref<16384x200xi32, #tpu.memory_space<hbm>> -> memref<1x200xi32, #tpu.memory_space<hbm>>
      %dma_wait3A_51 = tpu.memref_squeeze %dma_wait3A_50 : memref<1x200xi32, #tpu.memory_space<hbm>> -> memref<200xi32, #tpu.memory_space<hbm>>
      %dma_wait3A_52 = arith.constant 0 : i32
      %dma_wait3A_53 = tpu.memref_slice %arg2[%mul3A_2, %dma_wait3A_52] : memref<16384x200xi32, #tpu.memory_space<hbm>> -> memref<1x200xi32, #tpu.memory_space<hbm>>
      %dma_wait3A_54 = tpu.memref_squeeze %dma_wait3A_53 : memref<1x200xi32, #tpu.memory_space<hbm>> -> memref<200xi32, #tpu.memory_space<hbm>>
      tpu.wait_dma2 semaphore(%run_scoped3A : memref<!tpu.dma_semaphore, #tpu.memory_space<semaphore_mem>>) src(%dma_wait3A_54 : memref<200xi32, #tpu.memory_space<hbm>>) dst(%arg5 : memref<200xi32, #tpu.memory_space<vmem>>)
      tpu.yield
    }) : () -> ()
    %dma_start3A = arith.constant 0 : i32
    %dma_start3A_3 = tpu.memref_slice %arg5[%dma_start3A] : memref<200xi32, #tpu.memory_space<vmem>> -> memref<104xi32, #tpu.memory_space<vmem>>
    %dma_start3A_4 = arith.constant 0 : i32
    %dma_start3A_5 = arith.constant 0 : i32
    %dma_start3A_6 = tpu.memref_slice %arg3[%dma_start3A_4, %dma_start3A_5] : memref<95811x256xf32, #tpu.memory_space<hbm>> -> memref<95811x256xf32, #tpu.memory_space<hbm>>
    tpu.enqueue_indirect_dma source(%dma_start3A_6 : memref<95811x256xf32, #tpu.memory_space<hbm>>) target(%arg7 : memref<104x256xf32, #tpu.memory_space<vmem>>) offsets(%dma_start3A_3 : memref<104xi32, #tpu.memory_space<vmem>>) semaphore(%arg14 : memref<!tpu.dma_semaphore, #tpu.memory_space<semaphore_mem>>)
    %dma_start3A_7 = arith.constant 104 : i32
    %dma_start3A_8 = tpu.memref_slice %arg5[%dma_start3A_7] : memref<200xi32, #tpu.memory_space<vmem>> -> memref<96xi32, #tpu.memory_space<vmem>>
    %dma_start3A_9 = arith.constant 0 : i32
    %dma_start3A_10 = arith.constant 0 : i32
    %dma_start3A_11 = tpu.memref_slice %arg3[%dma_start3A_9, %dma_start3A_10] : memref<95811x256xf32, #tpu.memory_space<hbm>> -> memref<95811x256xf32, #tpu.memory_space<hbm>>
    tpu.enqueue_indirect_dma source(%dma_start3A_11 : memref<95811x256xf32, #tpu.memory_space<hbm>>) target(%arg8 : memref<96x256xf32, #tpu.memory_space<vmem>>) offsets(%dma_start3A_8 : memref<96xi32, #tpu.memory_space<vmem>>) semaphore(%arg14 : memref<!tpu.dma_semaphore, #tpu.memory_space<semaphore_mem>>)
    %add3A_12 = arith.constant 1 : i32
    %add3A_13 = arith.addi %mul3A_2, %add3A_12 : i32
    %dma_start3A_14 = arith.constant 0 : i32
    %dma_start3A_15 = tpu.memref_slice %arg2[%add3A_13, %dma_start3A_14] : memref<16384x200xi32, #tpu.memory_space<hbm>> -> memref<1x200xi32, #tpu.memory_space<hbm>>
    %dma_start3A_16 = tpu.memref_squeeze %dma_start3A_15 : memref<1x200xi32, #tpu.memory_space<hbm>> -> memref<200xi32, #tpu.memory_space<hbm>>
    %dma_start3A_17 = arith.constant 0 : i32
    %dma_start3A_18 = tpu.memref_slice %arg2[%add3A_13, %dma_start3A_17] : memref<16384x200xi32, #tpu.memory_space<hbm>> -> memref<1x200xi32, #tpu.memory_space<hbm>>
    %dma_start3A_19 = tpu.memref_squeeze %dma_start3A_18 : memref<1x200xi32, #tpu.memory_space<hbm>> -> memref<200xi32, #tpu.memory_space<hbm>>
    tpu.enqueue_dma source(%dma_start3A_19 : memref<200xi32, #tpu.memory_space<hbm>>) target(%arg6 : memref<200xi32, #tpu.memory_space<vmem>>) target_semaphore(%arg13 : memref<!tpu.dma_semaphore, #tpu.memory_space<semaphore_mem>>)
    %scan3A = arith.constant 0 : i32
    %scan3A_20 = arith.constant 0 : i32
    %scan3A_21 = arith.constant 256 : i32
    %scan3A_22 = arith.addi %scan3A_20, %scan3A_21 : i32
    %scan3A_23 = arith.constant 1 : i32
    scf.for %scan3A_43 = %scan3A_20 to %scan3A_22 step %scan3A_23  : i32 {
      %mul3A_44 = arith.constant 2 : i32
      %mul3A_45 = arith.muli %mul3A_44, %scan3A_43 : i32
      %add3A_46 = arith.addi %mul3A_2, %mul3A_45 : i32
      %add3A_47 = arith.constant 1 : i32
      %add3A_48 = arith.addi %add3A_46, %add3A_47 : i32
      %dma_wait3A_49 = arith.constant 0 : i32
      %dma_wait3A_50 = tpu.memref_slice %arg2[%add3A_48, %dma_wait3A_49] : memref<16384x200xi32, #tpu.memory_space<hbm>> -> memref<1x200xi32, #tpu.memory_space<hbm>>
      %dma_wait3A_51 = tpu.memref_squeeze %dma_wait3A_50 : memref<1x200xi32, #tpu.memory_space<hbm>> -> memref<200xi32, #tpu.memory_space<hbm>>
      %dma_wait3A_52 = arith.constant 0 : i32
      %dma_wait3A_53 = tpu.memref_slice %arg2[%add3A_48, %dma_wait3A_52] : memref<16384x200xi32, #tpu.memory_space<hbm>> -> memref<1x200xi32, #tpu.memory_space<hbm>>
      %dma_wait3A_54 = tpu.memref_squeeze %dma_wait3A_53 : memref<1x200xi32, #tpu.memory_space<hbm>> -> memref<200xi32, #tpu.memory_space<hbm>>
      tpu.wait_dma2 semaphore(%arg13 : memref<!tpu.dma_semaphore, #tpu.memory_space<semaphore_mem>>) src(%dma_wait3A_54 : memref<200xi32, #tpu.memory_space<hbm>>) dst(%arg6 : memref<200xi32, #tpu.memory_space<vmem>>)
      %dma_start3A_55 = arith.constant 0 : i32
      %dma_start3A_56 = tpu.memref_slice %arg6[%dma_start3A_55] : memref<200xi32, #tpu.memory_space<vmem>> -> memref<104xi32, #tpu.memory_space<vmem>>
      %dma_start3A_57 = arith.constant 0 : i32
      %dma_start3A_58 = arith.constant 0 : i32
      %dma_start3A_59 = tpu.memref_slice %arg3[%dma_start3A_57, %dma_start3A_58] : memref<95811x256xf32, #tpu.memory_space<hbm>> -> memref<95811x256xf32, #tpu.memory_space<hbm>>
      tpu.enqueue_indirect_dma source(%dma_start3A_59 : memref<95811x256xf32, #tpu.memory_space<hbm>>) target(%arg9 : memref<104x256xf32, #tpu.memory_space<vmem>>) offsets(%dma_start3A_56 : memref<104xi32, #tpu.memory_space<vmem>>) semaphore(%arg15 : memref<!tpu.dma_semaphore, #tpu.memory_space<semaphore_mem>>)
      %dma_start3A_60 = arith.constant 104 : i32
      %dma_start3A_61 = tpu.memref_slice %arg6[%dma_start3A_60] : memref<200xi32, #tpu.memory_space<vmem>> -> memref<96xi32, #tpu.memory_space<vmem>>
      %dma_start3A_62 = arith.constant 0 : i32
      %dma_start3A_63 = arith.constant 0 : i32
      %dma_start3A_64 = tpu.memref_slice %arg3[%dma_start3A_62, %dma_start3A_63] : memref<95811x256xf32, #tpu.memory_space<hbm>> -> memref<95811x256xf32, #tpu.memory_space<hbm>>
      tpu.enqueue_indirect_dma source(%dma_start3A_64 : memref<95811x256xf32, #tpu.memory_space<hbm>>) target(%arg10 : memref<96x256xf32, #tpu.memory_space<vmem>>) offsets(%dma_start3A_61 : memref<96xi32, #tpu.memory_space<vmem>>) semaphore(%arg15 : memref<!tpu.dma_semaphore, #tpu.memory_space<semaphore_mem>>)
      %ge3A = arith.constant 1 : i32
      %ge3A_65 = arith.cmpi sge, %scan3A_43, %ge3A : i32
      %dma_wait3A_66 = arith.constant 0 : i32
      %dma_wait3A_67 = tpu.memref_slice %arg5[%dma_wait3A_66] : memref<200xi32, #tpu.memory_space<vmem>> -> memref<104xi32, #tpu.memory_space<vmem>>
      %dma_wait3A_68 = arith.constant 0 : i32
      %dma_wait3A_69 = arith.constant 0 : i32
      %dma_wait3A_70 = tpu.memref_slice %arg3[%dma_wait3A_68, %dma_wait3A_69] : memref<95811x256xf32, #tpu.memory_space<hbm>> -> memref<95811x256xf32, #tpu.memory_space<hbm>>
      tpu.wait_indirect_dma semaphore(%arg14 : memref<!tpu.dma_semaphore, #tpu.memory_space<semaphore_mem>>) src(%dma_wait3A_70 : memref<95811x256xf32, #tpu.memory_space<hbm>>) dst(%arg7 : memref<104x256xf32, #tpu.memory_space<vmem>>)
      %dma_wait3A_71 = arith.constant 104 : i32
      %dma_wait3A_72 = tpu.memref_slice %arg5[%dma_wait3A_71] : memref<200xi32, #tpu.memory_space<vmem>> -> memref<96xi32, #tpu.memory_space<vmem>>
      %dma_wait3A_73 = arith.constant 0 : i32
      %dma_wait3A_74 = arith.constant 0 : i32
      %dma_wait3A_75 = tpu.memref_slice %arg3[%dma_wait3A_73, %dma_wait3A_74] : memref<95811x256xf32, #tpu.memory_space<hbm>> -> memref<95811x256xf32, #tpu.memory_space<hbm>>
      tpu.wait_indirect_dma semaphore(%arg14 : memref<!tpu.dma_semaphore, #tpu.memory_space<semaphore_mem>>) src(%dma_wait3A_75 : memref<95811x256xf32, #tpu.memory_space<hbm>>) dst(%arg8 : memref<96x256xf32, #tpu.memory_space<vmem>>)
      %add3A_76 = arith.constant 2 : i32
      %add3A_77 = arith.addi %mul3A_45, %add3A_76 : i32
      %lt3A = arith.constant 512 : i32
      %lt3A_78 = arith.cmpi slt, %add3A_77, %lt3A : i32
      %convert_element_type3A = arith.extui %lt3A_78 : i1 to i32
      %cond3A = arith.constant 0 : i32
      %cond3A_79 = arith.cmpi ne, %convert_element_type3A, %cond3A : i32
      scf.if %cond3A_79 {
        %add3A_282 = arith.addi %mul3A_2, %mul3A_45 : i32
        %add3A_283 = arith.constant 2 : i32
        %add3A_284 = arith.addi %add3A_282, %add3A_283 : i32
        %dma_start3A_285 = arith.constant 0 : i32
        %dma_start3A_286 = tpu.memref_slice %arg2[%add3A_284, %dma_start3A_285] : memref<16384x200xi32, #tpu.memory_space<hbm>> -> memref<1x200xi32, #tpu.memory_space<hbm>>
        %dma_start3A_287 = tpu.memref_squeeze %dma_start3A_286 : memref<1x200xi32, #tpu.memory_space<hbm>> -> memref<200xi32, #tpu.memory_space<hbm>>
        %dma_start3A_288 = arith.constant 0 : i32
        %dma_start3A_289 = tpu.memref_slice %arg2[%add3A_284, %dma_start3A_288] : memref<16384x200xi32, #tpu.memory_space<hbm>> -> memref<1x200xi32, #tpu.memory_space<hbm>>
        %dma_start3A_290 = tpu.memref_squeeze %dma_start3A_289 : memref<1x200xi32, #tpu.memory_space<hbm>> -> memref<200xi32, #tpu.memory_space<hbm>>
        tpu.enqueue_dma source(%dma_start3A_290 : memref<200xi32, #tpu.memory_space<hbm>>) target(%arg5 : memref<200xi32, #tpu.memory_space<vmem>>) target_semaphore(%arg13 : memref<!tpu.dma_semaphore, #tpu.memory_space<semaphore_mem>>)
      } else {
      }
      %broadcast_in_dim3A = arith.constant 0.000000e+00 : f32
      %broadcast_in_dim3A_80 = vector.broadcast %broadcast_in_dim3A : f32 to vector<16xf32>
      %scan3A_81 = arith.constant 0 : i32
      %scan3A_82 = arith.constant 104 : i32
      %scan3A_83 = arith.addi %scan3A_81, %scan3A_82 : i32
      %scan3A_84 = arith.constant 1 : i32
      %scan3A_85:16 = scf.for %scan3A_282 = %scan3A_81 to %scan3A_83 step %scan3A_84 iter_args(%scan3A_283 = %broadcast_in_dim3A_80, %scan3A_284 = %broadcast_in_dim3A_80, %scan3A_285 = %broadcast_in_dim3A_80, %scan3A_286 = %broadcast_in_dim3A_80, %scan3A_287 = %broadcast_in_dim3A_80, %scan3A_288 = %broadcast_in_dim3A_80, %scan3A_289 = %broadcast_in_dim3A_80, %scan3A_290 = %broadcast_in_dim3A_80, %scan3A_291 = %broadcast_in_dim3A_80, %scan3A_292 = %broadcast_in_dim3A_80, %scan3A_293 = %broadcast_in_dim3A_80, %scan3A_294 = %broadcast_in_dim3A_80, %scan3A_295 = %broadcast_in_dim3A_80, %scan3A_296 = %broadcast_in_dim3A_80, %scan3A_297 = %broadcast_in_dim3A_80, %scan3A_298 = %broadcast_in_dim3A_80) -> (vector<16xf32>, vector<16xf32>, vector<16xf32>, vector<16xf32>, vector<16xf32>, vector<16xf32>, vector<16xf32>, vector<16xf32>, vector<16xf32>, vector<16xf32>, vector<16xf32>, vector<16xf32>, vector<16xf32>, vector<16xf32>, vector<16xf32>, vector<16xf32>)  : i32 {
        %get3A = arith.index_cast %scan3A_282 : i32 to index
        %get3A_299 = arith.constant 0 : index
        %get3A_300 = tpu.vector_load %arg7[%get3A, %get3A_299] {strides = array<i32>} : memref<104x256xf32, #tpu.memory_space<vmem>>, vector<1x16xf32>,
        %get3A_301 = vector.shape_cast %get3A_300 : vector<1x16xf32> to vector<16xf32>
        %add3A_302 = arith.addf %scan3A_283, %get3A_301 : vector<16xf32>
        %get3A_303 = arith.index_cast %scan3A_282 : i32 to index
        %get3A_304 = arith.constant 16 : index
        %get3A_305 = tpu.vector_load %arg7[%get3A_303, %get3A_304] {strides = array<i32>} : memref<104x256xf32, #tpu.memory_space<vmem>>, vector<1x16xf32>,
        %get3A_306 = vector.shape_cast %get3A_305 : vector<1x16xf32> to vector<16xf32>
        %add3A_307 = arith.addf %scan3A_284, %get3A_306 : vector<16xf32>
        %get3A_308 = arith.index_cast %scan3A_282 : i32 to index
        %get3A_309 = arith.constant 32 : index
        %get3A_310 = tpu.vector_load %arg7[%get3A_308, %get3A_309] {strides = array<i32>} : memref<104x256xf32, #tpu.memory_space<vmem>>, vector<1x16xf32>,
        %get3A_311 = vector.shape_cast %get3A_310 : vector<1x16xf32> to vector<16xf32>
        %add3A_312 = arith.addf %scan3A_285, %get3A_311 : vector<16xf32>
        %get3A_313 = arith.index_cast %scan3A_282 : i32 to index
        %get3A_314 = arith.constant 48 : index
        %get3A_315 = tpu.vector_load %arg7[%get3A_313, %get3A_314] {strides = array<i32>} : memref<104x256xf32, #tpu.memory_space<vmem>>, vector<1x16xf32>,
        %get3A_316 = vector.shape_cast %get3A_315 : vector<1x16xf32> to vector<16xf32>
        %add3A_317 = arith.addf %scan3A_286, %get3A_316 : vector<16xf32>
        %get3A_318 = arith.index_cast %scan3A_282 : i32 to index
        %get3A_319 = arith.constant 64 : index
        %get3A_320 = tpu.vector_load %arg7[%get3A_318, %get3A_319] {strides = array<i32>} : memref<104x256xf32, #tpu.memory_space<vmem>>, vector<1x16xf32>,
        %get3A_321 = vector.shape_cast %get3A_320 : vector<1x16xf32> to vector<16xf32>
        %add3A_322 = arith.addf %scan3A_287, %get3A_321 : vector<16xf32>
        %get3A_323 = arith.index_cast %scan3A_282 : i32 to index
        %get3A_324 = arith.constant 80 : index
        %get3A_325 = tpu.vector_load %arg7[%get3A_323, %get3A_324] {strides = array<i32>} : memref<104x256xf32, #tpu.memory_space<vmem>>, vector<1x16xf32>,
        %get3A_326 = vector.shape_cast %get3A_325 : vector<1x16xf32> to vector<16xf32>
        %add3A_327 = arith.addf %scan3A_288, %get3A_326 : vector<16xf32>
        %get3A_328 = arith.index_cast %scan3A_282 : i32 to index
        %get3A_329 = arith.constant 96 : index
        %get3A_330 = tpu.vector_load %arg7[%get3A_328, %get3A_329] {strides = array<i32>} : memref<104x256xf32, #tpu.memory_space<vmem>>, vector<1x16xf32>,
        %get3A_331 = vector.shape_cast %get3A_330 : vector<1x16xf32> to vector<16xf32>
        %add3A_332 = arith.addf %scan3A_289, %get3A_331 : vector<16xf32>
        %get3A_333 = arith.index_cast %scan3A_282 : i32 to index
        %get3A_334 = arith.constant 112 : index
        %get3A_335 = tpu.vector_load %arg7[%get3A_333, %get3A_334] {strides = array<i32>} : memref<104x256xf32, #tpu.memory_space<vmem>>, vector<1x16xf32>,
        %get3A_336 = vector.shape_cast %get3A_335 : vector<1x16xf32> to vector<16xf32>
        %add3A_337 = arith.addf %scan3A_290, %get3A_336 : vector<16xf32>
        %get3A_338 = arith.index_cast %scan3A_282 : i32 to index
        %get3A_339 = arith.constant 128 : index
        %get3A_340 = tpu.vector_load %arg7[%get3A_338, %get3A_339] {strides = array<i32>} : memref<104x256xf32, #tpu.memory_space<vmem>>, vector<1x16xf32>,
        %get3A_341 = vector.shape_cast %get3A_340 : vector<1x16xf32> to vector<16xf32>
        %add3A_342 = arith.addf %scan3A_291, %get3A_341 : vector<16xf32>
        %get3A_343 = arith.index_cast %scan3A_282 : i32 to index
        %get3A_344 = arith.constant 144 : index
        %get3A_345 = tpu.vector_load %arg7[%get3A_343, %get3A_344] {strides = array<i32>} : memref<104x256xf32, #tpu.memory_space<vmem>>, vector<1x16xf32>,
        %get3A_346 = vector.shape_cast %get3A_345 : vector<1x16xf32> to vector<16xf32>
        %add3A_347 = arith.addf %scan3A_292, %get3A_346 : vector<16xf32>
        %get3A_348 = arith.index_cast %scan3A_282 : i32 to index
        %get3A_349 = arith.constant 160 : index
        %get3A_350 = tpu.vector_load %arg7[%get3A_348, %get3A_349] {strides = array<i32>} : memref<104x256xf32, #tpu.memory_space<vmem>>, vector<1x16xf32>,
        %get3A_351 = vector.shape_cast %get3A_350 : vector<1x16xf32> to vector<16xf32>
        %add3A_352 = arith.addf %scan3A_293, %get3A_351 : vector<16xf32>
        %get3A_353 = arith.index_cast %scan3A_282 : i32 to index
        %get3A_354 = arith.constant 176 : index
        %get3A_355 = tpu.vector_load %arg7[%get3A_353, %get3A_354] {strides = array<i32>} : memref<104x256xf32, #tpu.memory_space<vmem>>, vector<1x16xf32>,
        %get3A_356 = vector.shape_cast %get3A_355 : vector<1x16xf32> to vector<16xf32>
        %add3A_357 = arith.addf %scan3A_294, %get3A_356 : vector<16xf32>
        %get3A_358 = arith.index_cast %scan3A_282 : i32 to index
        %get3A_359 = arith.constant 192 : index
        %get3A_360 = tpu.vector_load %arg7[%get3A_358, %get3A_359] {strides = array<i32>} : memref<104x256xf32, #tpu.memory_space<vmem>>, vector<1x16xf32>,
        %get3A_361 = vector.shape_cast %get3A_360 : vector<1x16xf32> to vector<16xf32>
        %add3A_362 = arith.addf %scan3A_295, %get3A_361 : vector<16xf32>
        %get3A_363 = arith.index_cast %scan3A_282 : i32 to index
        %get3A_364 = arith.constant 208 : index
        %get3A_365 = tpu.vector_load %arg7[%get3A_363, %get3A_364] {strides = array<i32>} : memref<104x256xf32, #tpu.memory_space<vmem>>, vector<1x16xf32>,
        %get3A_366 = vector.shape_cast %get3A_365 : vector<1x16xf32> to vector<16xf32>
        %add3A_367 = arith.addf %scan3A_296, %get3A_366 : vector<16xf32>
        %get3A_368 = arith.index_cast %scan3A_282 : i32 to index
        %get3A_369 = arith.constant 224 : index
        %get3A_370 = tpu.vector_load %arg7[%get3A_368, %get3A_369] {strides = array<i32>} : memref<104x256xf32, #tpu.memory_space<vmem>>, vector<1x16xf32>,
        %get3A_371 = vector.shape_cast %get3A_370 : vector<1x16xf32> to vector<16xf32>
        %add3A_372 = arith.addf %scan3A_297, %get3A_371 : vector<16xf32>
        %get3A_373 = arith.index_cast %scan3A_282 : i32 to index
        %get3A_374 = arith.constant 240 : index
        %get3A_375 = tpu.vector_load %arg7[%get3A_373, %get3A_374] {strides = array<i32>} : memref<104x256xf32, #tpu.memory_space<vmem>>, vector<1x16xf32>,
        %get3A_376 = vector.shape_cast %get3A_375 : vector<1x16xf32> to vector<16xf32>
        %add3A_377 = arith.addf %scan3A_298, %get3A_376 : vector<16xf32>
        scf.yield %add3A_302, %add3A_307, %add3A_312, %add3A_317, %add3A_322, %add3A_327, %add3A_332, %add3A_337, %add3A_342, %add3A_347, %add3A_352, %add3A_357, %add3A_362, %add3A_367, %add3A_372, %add3A_377 : vector<16xf32>, vector<16xf32>, vector<16xf32>, vector<16xf32>, vector<16xf32>, vector<16xf32>, vector<16xf32>, vector<16xf32>, vector<16xf32>, vector<16xf32>, vector<16xf32>, vector<16xf32>, vector<16xf32>, vector<16xf32>, vector<16xf32>, vector<16xf32>
      }
      %scan3A_86 = arith.constant 104 : i32
      %scan3A_87 = arith.constant 0 : i32
      %scan3A_88 = arith.constant 96 : i32
      %scan3A_89 = arith.addi %scan3A_87, %scan3A_88 : i32
      %scan3A_90 = arith.constant 1 : i32
      %scan3A_91:16 = scf.for %scan3A_282 = %scan3A_87 to %scan3A_89 step %scan3A_90 iter_args(%scan3A_283 = %scan3A_85#0, %scan3A_284 = %scan3A_85#1, %scan3A_285 = %scan3A_85#2, %scan3A_286 = %scan3A_85#3, %scan3A_287 = %scan3A_85#4, %scan3A_288 = %scan3A_85#5, %scan3A_289 = %scan3A_85#6, %scan3A_290 = %scan3A_85#7, %scan3A_291 = %scan3A_85#8, %scan3A_292 = %scan3A_85#9, %scan3A_293 = %scan3A_85#10, %scan3A_294 = %scan3A_85#11, %scan3A_295 = %scan3A_85#12, %scan3A_296 = %scan3A_85#13, %scan3A_297 = %scan3A_85#14, %scan3A_298 = %scan3A_85#15) -> (vector<16xf32>, vector<16xf32>, vector<16xf32>, vector<16xf32>, vector<16xf32>, vector<16xf32>, vector<16xf32>, vector<16xf32>, vector<16xf32>, vector<16xf32>, vector<16xf32>, vector<16xf32>, vector<16xf32>, vector<16xf32>, vector<16xf32>, vector<16xf32>)  : i32 {
        %get3A = arith.index_cast %scan3A_282 : i32 to index
        %get3A_299 = arith.constant 0 : index
        %get3A_300 = tpu.vector_load %arg8[%get3A, %get3A_299] {strides = array<i32>} : memref<96x256xf32, #tpu.memory_space<vmem>>, vector<1x16xf32>,
        %get3A_301 = vector.shape_cast %get3A_300 : vector<1x16xf32> to vector<16xf32>
        %add3A_302 = arith.addf %scan3A_283, %get3A_301 : vector<16xf32>
        %get3A_303 = arith.index_cast %scan3A_282 : i32 to index
        %get3A_304 = arith.constant 16 : index
        %get3A_305 = tpu.vector_load %arg8[%get3A_303, %get3A_304] {strides = array<i32>} : memref<96x256xf32, #tpu.memory_space<vmem>>, vector<1x16xf32>,
        %get3A_306 = vector.shape_cast %get3A_305 : vector<1x16xf32> to vector<16xf32>
        %add3A_307 = arith.addf %scan3A_284, %get3A_306 : vector<16xf32>
        %get3A_308 = arith.index_cast %scan3A_282 : i32 to index
        %get3A_309 = arith.constant 32 : index
        %get3A_310 = tpu.vector_load %arg8[%get3A_308, %get3A_309] {strides = array<i32>} : memref<96x256xf32, #tpu.memory_space<vmem>>, vector<1x16xf32>,
        %get3A_311 = vector.shape_cast %get3A_310 : vector<1x16xf32> to vector<16xf32>
        %add3A_312 = arith.addf %scan3A_285, %get3A_311 : vector<16xf32>
        %get3A_313 = arith.index_cast %scan3A_282 : i32 to index
        %get3A_314 = arith.constant 48 : index
        %get3A_315 = tpu.vector_load %arg8[%get3A_313, %get3A_314] {strides = array<i32>} : memref<96x256xf32, #tpu.memory_space<vmem>>, vector<1x16xf32>,
        %get3A_316 = vector.shape_cast %get3A_315 : vector<1x16xf32> to vector<16xf32>
        %add3A_317 = arith.addf %scan3A_286, %get3A_316 : vector<16xf32>
        %get3A_318 = arith.index_cast %scan3A_282 : i32 to index
        %get3A_319 = arith.constant 64 : index
        %get3A_320 = tpu.vector_load %arg8[%get3A_318, %get3A_319] {strides = array<i32>} : memref<96x256xf32, #tpu.memory_space<vmem>>, vector<1x16xf32>,
        %get3A_321 = vector.shape_cast %get3A_320 : vector<1x16xf32> to vector<16xf32>
        %add3A_322 = arith.addf %scan3A_287, %get3A_321 : vector<16xf32>
        %get3A_323 = arith.index_cast %scan3A_282 : i32 to index
        %get3A_324 = arith.constant 80 : index
        %get3A_325 = tpu.vector_load %arg8[%get3A_323, %get3A_324] {strides = array<i32>} : memref<96x256xf32, #tpu.memory_space<vmem>>, vector<1x16xf32>,
        %get3A_326 = vector.shape_cast %get3A_325 : vector<1x16xf32> to vector<16xf32>
        %add3A_327 = arith.addf %scan3A_288, %get3A_326 : vector<16xf32>
        %get3A_328 = arith.index_cast %scan3A_282 : i32 to index
        %get3A_329 = arith.constant 96 : index
        %get3A_330 = tpu.vector_load %arg8[%get3A_328, %get3A_329] {strides = array<i32>} : memref<96x256xf32, #tpu.memory_space<vmem>>, vector<1x16xf32>,
        %get3A_331 = vector.shape_cast %get3A_330 : vector<1x16xf32> to vector<16xf32>
        %add3A_332 = arith.addf %scan3A_289, %get3A_331 : vector<16xf32>
        %get3A_333 = arith.index_cast %scan3A_282 : i32 to index
        %get3A_334 = arith.constant 112 : index
        %get3A_335 = tpu.vector_load %arg8[%get3A_333, %get3A_334] {strides = array<i32>} : memref<96x256xf32, #tpu.memory_space<vmem>>, vector<1x16xf32>,
        %get3A_336 = vector.shape_cast %get3A_335 : vector<1x16xf32> to vector<16xf32>
        %add3A_337 = arith.addf %scan3A_290, %get3A_336 : vector<16xf32>
        %get3A_338 = arith.index_cast %scan3A_282 : i32 to index
        %get3A_339 = arith.constant 128 : index
        %get3A_340 = tpu.vector_load %arg8[%get3A_338, %get3A_339] {strides = array<i32>} : memref<96x256xf32, #tpu.memory_space<vmem>>, vector<1x16xf32>,
        %get3A_341 = vector.shape_cast %get3A_340 : vector<1x16xf32> to vector<16xf32>
        %add3A_342 = arith.addf %scan3A_291, %get3A_341 : vector<16xf32>
        %get3A_343 = arith.index_cast %scan3A_282 : i32 to index
        %get3A_344 = arith.constant 144 : index
        %get3A_345 = tpu.vector_load %arg8[%get3A_343, %get3A_344] {strides = array<i32>} : memref<96x256xf32, #tpu.memory_space<vmem>>, vector<1x16xf32>,
        %get3A_346 = vector.shape_cast %get3A_345 : vector<1x16xf32> to vector<16xf32>
        %add3A_347 = arith.addf %scan3A_292, %get3A_346 : vector<16xf32>
        %get3A_348 = arith.index_cast %scan3A_282 : i32 to index
        %get3A_349 = arith.constant 160 : index
        %get3A_350 = tpu.vector_load %arg8[%get3A_348, %get3A_349] {strides = array<i32>} : memref<96x256xf32, #tpu.memory_space<vmem>>, vector<1x16xf32>,
        %get3A_351 = vector.shape_cast %get3A_350 : vector<1x16xf32> to vector<16xf32>
        %add3A_352 = arith.addf %scan3A_293, %get3A_351 : vector<16xf32>
        %get3A_353 = arith.index_cast %scan3A_282 : i32 to index
        %get3A_354 = arith.constant 176 : index
        %get3A_355 = tpu.vector_load %arg8[%get3A_353, %get3A_354] {strides = array<i32>} : memref<96x256xf32, #tpu.memory_space<vmem>>, vector<1x16xf32>,
        %get3A_356 = vector.shape_cast %get3A_355 : vector<1x16xf32> to vector<16xf32>
        %add3A_357 = arith.addf %scan3A_294, %get3A_356 : vector<16xf32>
        %get3A_358 = arith.index_cast %scan3A_282 : i32 to index
        %get3A_359 = arith.constant 192 : index
        %get3A_360 = tpu.vector_load %arg8[%get3A_358, %get3A_359] {strides = array<i32>} : memref<96x256xf32, #tpu.memory_space<vmem>>, vector<1x16xf32>,
        %get3A_361 = vector.shape_cast %get3A_360 : vector<1x16xf32> to vector<16xf32>
        %add3A_362 = arith.addf %scan3A_295, %get3A_361 : vector<16xf32>
        %get3A_363 = arith.index_cast %scan3A_282 : i32 to index
        %get3A_364 = arith.constant 208 : index
        %get3A_365 = tpu.vector_load %arg8[%get3A_363, %get3A_364] {strides = array<i32>} : memref<96x256xf32, #tpu.memory_space<vmem>>, vector<1x16xf32>,
        %get3A_366 = vector.shape_cast %get3A_365 : vector<1x16xf32> to vector<16xf32>
        %add3A_367 = arith.addf %scan3A_296, %get3A_366 : vector<16xf32>
        %get3A_368 = arith.index_cast %scan3A_282 : i32 to index
        %get3A_369 = arith.constant 224 : index
        %get3A_370 = tpu.vector_load %arg8[%get3A_368, %get3A_369] {strides = array<i32>} : memref<96x256xf32, #tpu.memory_space<vmem>>, vector<1x16xf32>,
        %get3A_371 = vector.shape_cast %get3A_370 : vector<1x16xf32> to vector<16xf32>
        %add3A_372 = arith.addf %scan3A_297, %get3A_371 : vector<16xf32>
        %get3A_373 = arith.index_cast %scan3A_282 : i32 to index
        %get3A_374 = arith.constant 240 : index
        %get3A_375 = tpu.vector_load %arg8[%get3A_373, %get3A_374] {strides = array<i32>} : memref<96x256xf32, #tpu.memory_space<vmem>>, vector<1x16xf32>,
        %get3A_376 = vector.shape_cast %get3A_375 : vector<1x16xf32> to vector<16xf32>
        %add3A_377 = arith.addf %scan3A_298, %get3A_376 : vector<16xf32>
        scf.yield %add3A_302, %add3A_307, %add3A_312, %add3A_317, %add3A_322, %add3A_327, %add3A_332, %add3A_337, %add3A_342, %add3A_347, %add3A_352, %add3A_357, %add3A_362, %add3A_367, %add3A_372, %add3A_377 : vector<16xf32>, vector<16xf32>, vector<16xf32>, vector<16xf32>, vector<16xf32>, vector<16xf32>, vector<16xf32>, vector<16xf32>, vector<16xf32>, vector<16xf32>, vector<16xf32>, vector<16xf32>, vector<16xf32>, vector<16xf32>, vector<16xf32>, vector<16xf32>
      }
      %scan3A_92 = arith.constant 96 : i32
      %convert_element_type3A_93 = arith.extui %ge3A_65 : i1 to i32
      %cond3A_94 = arith.constant 0 : i32
      %cond3A_95 = arith.cmpi ne, %convert_element_type3A_93, %cond3A_94 : i32
      scf.if %cond3A_95 {
        %add3A_282 = arith.addi %mul3A_2, %mul3A_45 : i32
        %dma_wait3A_283 = arith.constant 0 : i32
        %dma_wait3A_284 = tpu.memref_slice %arg4[%add3A_282, %dma_wait3A_283] : memref<16384x256xf32, #tpu.memory_space<hbm>> -> memref<1x256xf32, #tpu.memory_space<hbm>>
        %dma_wait3A_285 = tpu.memref_squeeze %dma_wait3A_284 : memref<1x256xf32, #tpu.memory_space<hbm>> -> memref<256xf32, #tpu.memory_space<hbm>>
        %dma_wait3A_286 = arith.constant 0 : i32
        %dma_wait3A_287 = tpu.memref_slice %arg4[%add3A_282, %dma_wait3A_286] : memref<16384x256xf32, #tpu.memory_space<hbm>> -> memref<1x256xf32, #tpu.memory_space<hbm>>
        %dma_wait3A_288 = tpu.memref_squeeze %dma_wait3A_287 : memref<1x256xf32, #tpu.memory_space<hbm>> -> memref<256xf32, #tpu.memory_space<hbm>>
        tpu.wait_dma2 semaphore(%arg16 : memref<!tpu.dma_semaphore, #tpu.memory_space<semaphore_mem>>) src(%arg11 : memref<256xf32, #tpu.memory_space<vmem>>) dst(%dma_wait3A_288 : memref<256xf32, #tpu.memory_space<hbm>>)
      } else {
      }
      %swap3A = arith.constant 0 : index
      %swap3A_96 = tpu.vector_load %arg11[%swap3A] {strides = array<i32>} : memref<256xf32, #tpu.memory_space<vmem>>, vector<16xf32>,
      %swap3A_97 = vector.shape_cast %swap3A_96 : vector<16xf32> to vector<16xf32>
      %swap3A_98 = vector.shape_cast %scan3A_91#0 : vector<16xf32> to vector<16xf32>
      tpu.vector_store %arg11[%swap3A], %swap3A_98 {strides = array<i32>} : memref<256xf32, #tpu.memory_space<vmem>>, vector<16xf32>,
      %swap3A_99 = arith.constant 16 : index
      %swap3A_100 = tpu.vector_load %arg11[%swap3A_99] {strides = array<i32>} : memref<256xf32, #tpu.memory_space<vmem>>, vector<16xf32>,
      %swap3A_101 = vector.shape_cast %swap3A_100 : vector<16xf32> to vector<16xf32>
      %swap3A_102 = vector.shape_cast %scan3A_91#1 : vector<16xf32> to vector<16xf32>
      tpu.vector_store %arg11[%swap3A_99], %swap3A_102 {strides = array<i32>} : memref<256xf32, #tpu.memory_space<vmem>>, vector<16xf32>,
      %swap3A_103 = arith.constant 32 : index
      %swap3A_104 = tpu.vector_load %arg11[%swap3A_103] {strides = array<i32>} : memref<256xf32, #tpu.memory_space<vmem>>, vector<16xf32>,
      %swap3A_105 = vector.shape_cast %swap3A_104 : vector<16xf32> to vector<16xf32>
      %swap3A_106 = vector.shape_cast %scan3A_91#2 : vector<16xf32> to vector<16xf32>
      tpu.vector_store %arg11[%swap3A_103], %swap3A_106 {strides = array<i32>} : memref<256xf32, #tpu.memory_space<vmem>>, vector<16xf32>,
      %swap3A_107 = arith.constant 48 : index
      %swap3A_108 = tpu.vector_load %arg11[%swap3A_107] {strides = array<i32>} : memref<256xf32, #tpu.memory_space<vmem>>, vector<16xf32>,
      %swap3A_109 = vector.shape_cast %swap3A_108 : vector<16xf32> to vector<16xf32>
      %swap3A_110 = vector.shape_cast %scan3A_91#3 : vector<16xf32> to vector<16xf32>
      tpu.vector_store %arg11[%swap3A_107], %swap3A_110 {strides = array<i32>} : memref<256xf32, #tpu.memory_space<vmem>>, vector<16xf32>,
      %swap3A_111 = arith.constant 64 : index
      %swap3A_112 = tpu.vector_load %arg11[%swap3A_111] {strides = array<i32>} : memref<256xf32, #tpu.memory_space<vmem>>, vector<16xf32>,
      %swap3A_113 = vector.shape_cast %swap3A_112 : vector<16xf32> to vector<16xf32>
      %swap3A_114 = vector.shape_cast %scan3A_91#4 : vector<16xf32> to vector<16xf32>
      tpu.vector_store %arg11[%swap3A_111], %swap3A_114 {strides = array<i32>} : memref<256xf32, #tpu.memory_space<vmem>>, vector<16xf32>,
      %swap3A_115 = arith.constant 80 : index
      %swap3A_116 = tpu.vector_load %arg11[%swap3A_115] {strides = array<i32>} : memref<256xf32, #tpu.memory_space<vmem>>, vector<16xf32>,
      %swap3A_117 = vector.shape_cast %swap3A_116 : vector<16xf32> to vector<16xf32>
      %swap3A_118 = vector.shape_cast %scan3A_91#5 : vector<16xf32> to vector<16xf32>
      tpu.vector_store %arg11[%swap3A_115], %swap3A_118 {strides = array<i32>} : memref<256xf32, #tpu.memory_space<vmem>>, vector<16xf32>,
      %swap3A_119 = arith.constant 96 : index
      %swap3A_120 = tpu.vector_load %arg11[%swap3A_119] {strides = array<i32>} : memref<256xf32, #tpu.memory_space<vmem>>, vector<16xf32>,
      %swap3A_121 = vector.shape_cast %swap3A_120 : vector<16xf32> to vector<16xf32>
      %swap3A_122 = vector.shape_cast %scan3A_91#6 : vector<16xf32> to vector<16xf32>
      tpu.vector_store %arg11[%swap3A_119], %swap3A_122 {strides = array<i32>} : memref<256xf32, #tpu.memory_space<vmem>>, vector<16xf32>,
      %swap3A_123 = arith.constant 112 : index
      %swap3A_124 = tpu.vector_load %arg11[%swap3A_123] {strides = array<i32>} : memref<256xf32, #tpu.memory_space<vmem>>, vector<16xf32>,
      %swap3A_125 = vector.shape_cast %swap3A_124 : vector<16xf32> to vector<16xf32>
      %swap3A_126 = vector.shape_cast %scan3A_91#7 : vector<16xf32> to vector<16xf32>
      tpu.vector_store %arg11[%swap3A_123], %swap3A_126 {strides = array<i32>} : memref<256xf32, #tpu.memory_space<vmem>>, vector<16xf32>,
      %swap3A_127 = arith.constant 128 : index
      %swap3A_128 = tpu.vector_load %arg11[%swap3A_127] {strides = array<i32>} : memref<256xf32, #tpu.memory_space<vmem>>, vector<16xf32>,
      %swap3A_129 = vector.shape_cast %swap3A_128 : vector<16xf32> to vector<16xf32>
      %swap3A_130 = vector.shape_cast %scan3A_91#8 : vector<16xf32> to vector<16xf32>
      tpu.vector_store %arg11[%swap3A_127], %swap3A_130 {strides = array<i32>} : memref<256xf32, #tpu.memory_space<vmem>>, vector<16xf32>,
      %swap3A_131 = arith.constant 144 : index
      %swap3A_132 = tpu.vector_load %arg11[%swap3A_131] {strides = array<i32>} : memref<256xf32, #tpu.memory_space<vmem>>, vector<16xf32>,
      %swap3A_133 = vector.shape_cast %swap3A_132 : vector<16xf32> to vector<16xf32>
      %swap3A_134 = vector.shape_cast %scan3A_91#9 : vector<16xf32> to vector<16xf32>
      tpu.vector_store %arg11[%swap3A_131], %swap3A_134 {strides = array<i32>} : memref<256xf32, #tpu.memory_space<vmem>>, vector<16xf32>,
      %swap3A_135 = arith.constant 160 : index
      %swap3A_136 = tpu.vector_load %arg11[%swap3A_135] {strides = array<i32>} : memref<256xf32, #tpu.memory_space<vmem>>, vector<16xf32>,
      %swap3A_137 = vector.shape_cast %swap3A_136 : vector<16xf32> to vector<16xf32>
      %swap3A_138 = vector.shape_cast %scan3A_91#10 : vector<16xf32> to vector<16xf32>
      tpu.vector_store %arg11[%swap3A_135], %swap3A_138 {strides = array<i32>} : memref<256xf32, #tpu.memory_space<vmem>>, vector<16xf32>,
      %swap3A_139 = arith.constant 176 : index
      %swap3A_140 = tpu.vector_load %arg11[%swap3A_139] {strides = array<i32>} : memref<256xf32, #tpu.memory_space<vmem>>, vector<16xf32>,
      %swap3A_141 = vector.shape_cast %swap3A_140 : vector<16xf32> to vector<16xf32>
      %swap3A_142 = vector.shape_cast %scan3A_91#11 : vector<16xf32> to vector<16xf32>
      tpu.vector_store %arg11[%swap3A_139], %swap3A_142 {strides = array<i32>} : memref<256xf32, #tpu.memory_space<vmem>>, vector<16xf32>,
      %swap3A_143 = arith.constant 192 : index
      %swap3A_144 = tpu.vector_load %arg11[%swap3A_143] {strides = array<i32>} : memref<256xf32, #tpu.memory_space<vmem>>, vector<16xf32>,
      %swap3A_145 = vector.shape_cast %swap3A_144 : vector<16xf32> to vector<16xf32>
      %swap3A_146 = vector.shape_cast %scan3A_91#12 : vector<16xf32> to vector<16xf32>
      tpu.vector_store %arg11[%swap3A_143], %swap3A_146 {strides = array<i32>} : memref<256xf32, #tpu.memory_space<vmem>>, vector<16xf32>,
      %swap3A_147 = arith.constant 208 : index
      %swap3A_148 = tpu.vector_load %arg11[%swap3A_147] {strides = array<i32>} : memref<256xf32, #tpu.memory_space<vmem>>, vector<16xf32>,
      %swap3A_149 = vector.shape_cast %swap3A_148 : vector<16xf32> to vector<16xf32>
      %swap3A_150 = vector.shape_cast %scan3A_91#13 : vector<16xf32> to vector<16xf32>
      tpu.vector_store %arg11[%swap3A_147], %swap3A_150 {strides = array<i32>} : memref<256xf32, #tpu.memory_space<vmem>>, vector<16xf32>,
      %swap3A_151 = arith.constant 224 : index
      %swap3A_152 = tpu.vector_load %arg11[%swap3A_151] {strides = array<i32>} : memref<256xf32, #tpu.memory_space<vmem>>, vector<16xf32>,
      %swap3A_153 = vector.shape_cast %swap3A_152 : vector<16xf32> to vector<16xf32>
      %swap3A_154 = vector.shape_cast %scan3A_91#14 : vector<16xf32> to vector<16xf32>
      tpu.vector_store %arg11[%swap3A_151], %swap3A_154 {strides = array<i32>} : memref<256xf32, #tpu.memory_space<vmem>>, vector<16xf32>,
      %swap3A_155 = arith.constant 240 : index
      %swap3A_156 = tpu.vector_load %arg11[%swap3A_155] {strides = array<i32>} : memref<256xf32, #tpu.memory_space<vmem>>, vector<16xf32>,
      %swap3A_157 = vector.shape_cast %swap3A_156 : vector<16xf32> to vector<16xf32>
      %swap3A_158 = vector.shape_cast %scan3A_91#15 : vector<16xf32> to vector<16xf32>
      tpu.vector_store %arg11[%swap3A_155], %swap3A_158 {strides = array<i32>} : memref<256xf32, #tpu.memory_space<vmem>>, vector<16xf32>,
      %add3A_159 = arith.addi %mul3A_2, %mul3A_45 : i32
      %dma_start3A_160 = arith.constant 0 : i32
      %dma_start3A_161 = tpu.memref_slice %arg4[%add3A_159, %dma_start3A_160] : memref<16384x256xf32, #tpu.memory_space<hbm>> -> memref<1x256xf32, #tpu.memory_space<hbm>>
      %dma_start3A_162 = tpu.memref_squeeze %dma_start3A_161 : memref<1x256xf32, #tpu.memory_space<hbm>> -> memref<256xf32, #tpu.memory_space<hbm>>
      %dma_start3A_163 = arith.constant 0 : i32
      %dma_start3A_164 = tpu.memref_slice %arg4[%add3A_159, %dma_start3A_163] : memref<16384x256xf32, #tpu.memory_space<hbm>> -> memref<1x256xf32, #tpu.memory_space<hbm>>
      %dma_start3A_165 = tpu.memref_squeeze %dma_start3A_164 : memref<1x256xf32, #tpu.memory_space<hbm>> -> memref<256xf32, #tpu.memory_space<hbm>>
      tpu.enqueue_dma source(%arg11 : memref<256xf32, #tpu.memory_space<vmem>>) target(%dma_start3A_165 : memref<256xf32, #tpu.memory_space<hbm>>) target_semaphore(%arg16 : memref<!tpu.dma_semaphore, #tpu.memory_space<semaphore_mem>>)
      %add3A_166 = arith.constant 2 : i32
      %add3A_167 = arith.addi %mul3A_45, %add3A_166 : i32
      %lt3A_168 = arith.constant 512 : i32
      %lt3A_169 = arith.cmpi slt, %add3A_167, %lt3A_168 : i32
      %convert_element_type3A_170 = arith.extui %lt3A_169 : i1 to i32
      %cond3A_171 = arith.constant 0 : i32
      %cond3A_172 = arith.cmpi ne, %convert_element_type3A_170, %cond3A_171 : i32
      scf.if %cond3A_172 {
        %add3A_282 = arith.addi %mul3A_2, %mul3A_45 : i32
        %add3A_283 = arith.constant 2 : i32
        %add3A_284 = arith.addi %add3A_282, %add3A_283 : i32
        %dma_wait3A_285 = arith.constant 0 : i32
        %dma_wait3A_286 = tpu.memref_slice %arg2[%add3A_284, %dma_wait3A_285] : memref<16384x200xi32, #tpu.memory_space<hbm>> -> memref<1x200xi32, #tpu.memory_space<hbm>>
        %dma_wait3A_287 = tpu.memref_squeeze %dma_wait3A_286 : memref<1x200xi32, #tpu.memory_space<hbm>> -> memref<200xi32, #tpu.memory_space<hbm>>
        %dma_wait3A_288 = arith.constant 0 : i32
        %dma_wait3A_289 = tpu.memref_slice %arg2[%add3A_284, %dma_wait3A_288] : memref<16384x200xi32, #tpu.memory_space<hbm>> -> memref<1x200xi32, #tpu.memory_space<hbm>>
        %dma_wait3A_290 = tpu.memref_squeeze %dma_wait3A_289 : memref<1x200xi32, #tpu.memory_space<hbm>> -> memref<200xi32, #tpu.memory_space<hbm>>
        tpu.wait_dma2 semaphore(%arg13 : memref<!tpu.dma_semaphore, #tpu.memory_space<semaphore_mem>>) src(%dma_wait3A_290 : memref<200xi32, #tpu.memory_space<hbm>>) dst(%arg5 : memref<200xi32, #tpu.memory_space<vmem>>)
        %dma_start3A_291 = arith.constant 0 : i32
        %dma_start3A_292 = tpu.memref_slice %arg5[%dma_start3A_291] : memref<200xi32, #tpu.memory_space<vmem>> -> memref<104xi32, #tpu.memory_space<vmem>>
        %dma_start3A_293 = arith.constant 0 : i32
        %dma_start3A_294 = arith.constant 0 : i32
        %dma_start3A_295 = tpu.memref_slice %arg3[%dma_start3A_293, %dma_start3A_294] : memref<95811x256xf32, #tpu.memory_space<hbm>> -> memref<95811x256xf32, #tpu.memory_space<hbm>>
        tpu.enqueue_indirect_dma source(%dma_start3A_295 : memref<95811x256xf32, #tpu.memory_space<hbm>>) target(%arg7 : memref<104x256xf32, #tpu.memory_space<vmem>>) offsets(%dma_start3A_292 : memref<104xi32, #tpu.memory_space<vmem>>) semaphore(%arg14 : memref<!tpu.dma_semaphore, #tpu.memory_space<semaphore_mem>>)
        %dma_start3A_296 = arith.constant 104 : i32
        %dma_start3A_297 = tpu.memref_slice %arg5[%dma_start3A_296] : memref<200xi32, #tpu.memory_space<vmem>> -> memref<96xi32, #tpu.memory_space<vmem>>
        %dma_start3A_298 = arith.constant 0 : i32
        %dma_start3A_299 = arith.constant 0 : i32
        %dma_start3A_300 = tpu.memref_slice %arg3[%dma_start3A_298, %dma_start3A_299] : memref<95811x256xf32, #tpu.memory_space<hbm>> -> memref<95811x256xf32, #tpu.memory_space<hbm>>
        tpu.enqueue_indirect_dma source(%dma_start3A_300 : memref<95811x256xf32, #tpu.memory_space<hbm>>) target(%arg8 : memref<96x256xf32, #tpu.memory_space<vmem>>) offsets(%dma_start3A_297 : memref<96xi32, #tpu.memory_space<vmem>>) semaphore(%arg14 : memref<!tpu.dma_semaphore, #tpu.memory_space<semaphore_mem>>)
      } else {
      }
      %add3A_173 = arith.constant 1 : i32
      %add3A_174 = arith.addi %mul3A_45, %add3A_173 : i32
      %ge3A_175 = arith.constant 1 : i32
      %ge3A_176 = arith.cmpi sge, %scan3A_43, %ge3A_175 : i32
      %dma_wait3A_177 = arith.constant 0 : i32
      %dma_wait3A_178 = tpu.memref_slice %arg6[%dma_wait3A_177] : memref<200xi32, #tpu.memory_space<vmem>> -> memref<104xi32, #tpu.memory_space<vmem>>
      %dma_wait3A_179 = arith.constant 0 : i32
      %dma_wait3A_180 = arith.constant 0 : i32
      %dma_wait3A_181 = tpu.memref_slice %arg3[%dma_wait3A_179, %dma_wait3A_180] : memref<95811x256xf32, #tpu.memory_space<hbm>> -> memref<95811x256xf32, #tpu.memory_space<hbm>>
      tpu.wait_indirect_dma semaphore(%arg15 : memref<!tpu.dma_semaphore, #tpu.memory_space<semaphore_mem>>) src(%dma_wait3A_181 : memref<95811x256xf32, #tpu.memory_space<hbm>>) dst(%arg9 : memref<104x256xf32, #tpu.memory_space<vmem>>)
      %dma_wait3A_182 = arith.constant 104 : i32
      %dma_wait3A_183 = tpu.memref_slice %arg6[%dma_wait3A_182] : memref<200xi32, #tpu.memory_space<vmem>> -> memref<96xi32, #tpu.memory_space<vmem>>
      %dma_wait3A_184 = arith.constant 0 : i32
      %dma_wait3A_185 = arith.constant 0 : i32
      %dma_wait3A_186 = tpu.memref_slice %arg3[%dma_wait3A_184, %dma_wait3A_185] : memref<95811x256xf32, #tpu.memory_space<hbm>> -> memref<95811x256xf32, #tpu.memory_space<hbm>>
      tpu.wait_indirect_dma semaphore(%arg15 : memref<!tpu.dma_semaphore, #tpu.memory_space<semaphore_mem>>) src(%dma_wait3A_186 : memref<95811x256xf32, #tpu.memory_space<hbm>>) dst(%arg10 : memref<96x256xf32, #tpu.memory_space<vmem>>)
      %add3A_187 = arith.constant 2 : i32
      %add3A_188 = arith.addi %add3A_174, %add3A_187 : i32
      %lt3A_189 = arith.constant 512 : i32
      %lt3A_190 = arith.cmpi slt, %add3A_188, %lt3A_189 : i32
      %convert_element_type3A_191 = arith.extui %lt3A_190 : i1 to i32
      %cond3A_192 = arith.constant 0 : i32
      %cond3A_193 = arith.cmpi ne, %convert_element_type3A_191, %cond3A_192 : i32
      scf.if %cond3A_193 {
        %add3A_282 = arith.addi %mul3A_2, %add3A_174 : i32
        %add3A_283 = arith.constant 2 : i32
        %add3A_284 = arith.addi %add3A_282, %add3A_283 : i32
        %dma_start3A_285 = arith.constant 0 : i32
        %dma_start3A_286 = tpu.memref_slice %arg2[%add3A_284, %dma_start3A_285] : memref<16384x200xi32, #tpu.memory_space<hbm>> -> memref<1x200xi32, #tpu.memory_space<hbm>>
        %dma_start3A_287 = tpu.memref_squeeze %dma_start3A_286 : memref<1x200xi32, #tpu.memory_space<hbm>> -> memref<200xi32, #tpu.memory_space<hbm>>
        %dma_start3A_288 = arith.constant 0 : i32
        %dma_start3A_289 = tpu.memref_slice %arg2[%add3A_284, %dma_start3A_288] : memref<16384x200xi32, #tpu.memory_space<hbm>> -> memref<1x200xi32, #tpu.memory_space<hbm>>
        %dma_start3A_290 = tpu.memref_squeeze %dma_start3A_289 : memref<1x200xi32, #tpu.memory_space<hbm>> -> memref<200xi32, #tpu.memory_space<hbm>>
        tpu.enqueue_dma source(%dma_start3A_290 : memref<200xi32, #tpu.memory_space<hbm>>) target(%arg6 : memref<200xi32, #tpu.memory_space<vmem>>) target_semaphore(%arg13 : memref<!tpu.dma_semaphore, #tpu.memory_space<semaphore_mem>>)
      } else {
      }
      %broadcast_in_dim3A_194 = arith.constant 0.000000e+00 : f32
      %broadcast_in_dim3A_195 = vector.broadcast %broadcast_in_dim3A_194 : f32 to vector<16xf32>
      %scan3A_196 = arith.constant 0 : i32
      %scan3A_197 = arith.constant 104 : i32
      %scan3A_198 = arith.addi %scan3A_196, %scan3A_197 : i32
      %scan3A_199 = arith.constant 1 : i32
      %scan3A_200:16 = scf.for %scan3A_282 = %scan3A_196 to %scan3A_198 step %scan3A_199 iter_args(%scan3A_283 = %broadcast_in_dim3A_195, %scan3A_284 = %broadcast_in_dim3A_195, %scan3A_285 = %broadcast_in_dim3A_195, %scan3A_286 = %broadcast_in_dim3A_195, %scan3A_287 = %broadcast_in_dim3A_195, %scan3A_288 = %broadcast_in_dim3A_195, %scan3A_289 = %broadcast_in_dim3A_195, %scan3A_290 = %broadcast_in_dim3A_195, %scan3A_291 = %broadcast_in_dim3A_195, %scan3A_292 = %broadcast_in_dim3A_195, %scan3A_293 = %broadcast_in_dim3A_195, %scan3A_294 = %broadcast_in_dim3A_195, %scan3A_295 = %broadcast_in_dim3A_195, %scan3A_296 = %broadcast_in_dim3A_195, %scan3A_297 = %broadcast_in_dim3A_195, %scan3A_298 = %broadcast_in_dim3A_195) -> (vector<16xf32>, vector<16xf32>, vector<16xf32>, vector<16xf32>, vector<16xf32>, vector<16xf32>, vector<16xf32>, vector<16xf32>, vector<16xf32>, vector<16xf32>, vector<16xf32>, vector<16xf32>, vector<16xf32>, vector<16xf32>, vector<16xf32>, vector<16xf32>)  : i32 {
        %get3A = arith.index_cast %scan3A_282 : i32 to index
        %get3A_299 = arith.constant 0 : index
        %get3A_300 = tpu.vector_load %arg9[%get3A, %get3A_299] {strides = array<i32>} : memref<104x256xf32, #tpu.memory_space<vmem>>, vector<1x16xf32>,
        %get3A_301 = vector.shape_cast %get3A_300 : vector<1x16xf32> to vector<16xf32>
        %add3A_302 = arith.addf %scan3A_283, %get3A_301 : vector<16xf32>
        %get3A_303 = arith.index_cast %scan3A_282 : i32 to index
        %get3A_304 = arith.constant 16 : index
        %get3A_305 = tpu.vector_load %arg9[%get3A_303, %get3A_304] {strides = array<i32>} : memref<104x256xf32, #tpu.memory_space<vmem>>, vector<1x16xf32>,
        %get3A_306 = vector.shape_cast %get3A_305 : vector<1x16xf32> to vector<16xf32>
        %add3A_307 = arith.addf %scan3A_284, %get3A_306 : vector<16xf32>
        %get3A_308 = arith.index_cast %scan3A_282 : i32 to index
        %get3A_309 = arith.constant 32 : index
        %get3A_310 = tpu.vector_load %arg9[%get3A_308, %get3A_309] {strides = array<i32>} : memref<104x256xf32, #tpu.memory_space<vmem>>, vector<1x16xf32>,
        %get3A_311 = vector.shape_cast %get3A_310 : vector<1x16xf32> to vector<16xf32>
        %add3A_312 = arith.addf %scan3A_285, %get3A_311 : vector<16xf32>
        %get3A_313 = arith.index_cast %scan3A_282 : i32 to index
        %get3A_314 = arith.constant 48 : index
        %get3A_315 = tpu.vector_load %arg9[%get3A_313, %get3A_314] {strides = array<i32>} : memref<104x256xf32, #tpu.memory_space<vmem>>, vector<1x16xf32>,
        %get3A_316 = vector.shape_cast %get3A_315 : vector<1x16xf32> to vector<16xf32>
        %add3A_317 = arith.addf %scan3A_286, %get3A_316 : vector<16xf32>
        %get3A_318 = arith.index_cast %scan3A_282 : i32 to index
        %get3A_319 = arith.constant 64 : index
        %get3A_320 = tpu.vector_load %arg9[%get3A_318, %get3A_319] {strides = array<i32>} : memref<104x256xf32, #tpu.memory_space<vmem>>, vector<1x16xf32>,
        %get3A_321 = vector.shape_cast %get3A_320 : vector<1x16xf32> to vector<16xf32>
        %add3A_322 = arith.addf %scan3A_287, %get3A_321 : vector<16xf32>
        %get3A_323 = arith.index_cast %scan3A_282 : i32 to index
        %get3A_324 = arith.constant 80 : index
        %get3A_325 = tpu.vector_load %arg9[%get3A_323, %get3A_324] {strides = array<i32>} : memref<104x256xf32, #tpu.memory_space<vmem>>, vector<1x16xf32>,
        %get3A_326 = vector.shape_cast %get3A_325 : vector<1x16xf32> to vector<16xf32>
        %add3A_327 = arith.addf %scan3A_288, %get3A_326 : vector<16xf32>
        %get3A_328 = arith.index_cast %scan3A_282 : i32 to index
        %get3A_329 = arith.constant 96 : index
        %get3A_330 = tpu.vector_load %arg9[%get3A_328, %get3A_329] {strides = array<i32>} : memref<104x256xf32, #tpu.memory_space<vmem>>, vector<1x16xf32>,
        %get3A_331 = vector.shape_cast %get3A_330 : vector<1x16xf32> to vector<16xf32>
        %add3A_332 = arith.addf %scan3A_289, %get3A_331 : vector<16xf32>
        %get3A_333 = arith.index_cast %scan3A_282 : i32 to index
        %get3A_334 = arith.constant 112 : index
        %get3A_335 = tpu.vector_load %arg9[%get3A_333, %get3A_334] {strides = array<i32>} : memref<104x256xf32, #tpu.memory_space<vmem>>, vector<1x16xf32>,
        %get3A_336 = vector.shape_cast %get3A_335 : vector<1x16xf32> to vector<16xf32>
        %add3A_337 = arith.addf %scan3A_290, %get3A_336 : vector<16xf32>
        %get3A_338 = arith.index_cast %scan3A_282 : i32 to index
        %get3A_339 = arith.constant 128 : index
        %get3A_340 = tpu.vector_load %arg9[%get3A_338, %get3A_339] {strides = array<i32>} : memref<104x256xf32, #tpu.memory_space<vmem>>, vector<1x16xf32>,
        %get3A_341 = vector.shape_cast %get3A_340 : vector<1x16xf32> to vector<16xf32>
        %add3A_342 = arith.addf %scan3A_291, %get3A_341 : vector<16xf32>
        %get3A_343 = arith.index_cast %scan3A_282 : i32 to index
        %get3A_344 = arith.constant 144 : index
        %get3A_345 = tpu.vector_load %arg9[%get3A_343, %get3A_344] {strides = array<i32>} : memref<104x256xf32, #tpu.memory_space<vmem>>, vector<1x16xf32>,
        %get3A_346 = vector.shape_cast %get3A_345 : vector<1x16xf32> to vector<16xf32>
        %add3A_347 = arith.addf %scan3A_292, %get3A_346 : vector<16xf32>
        %get3A_348 = arith.index_cast %scan3A_282 : i32 to index
        %get3A_349 = arith.constant 160 : index
        %get3A_350 = tpu.vector_load %arg9[%get3A_348, %get3A_349] {strides = array<i32>} : memref<104x256xf32, #tpu.memory_space<vmem>>, vector<1x16xf32>,
        %get3A_351 = vector.shape_cast %get3A_350 : vector<1x16xf32> to vector<16xf32>
        %add3A_352 = arith.addf %scan3A_293, %get3A_351 : vector<16xf32>
        %get3A_353 = arith.index_cast %scan3A_282 : i32 to index
        %get3A_354 = arith.constant 176 : index
        %get3A_355 = tpu.vector_load %arg9[%get3A_353, %get3A_354] {strides = array<i32>} : memref<104x256xf32, #tpu.memory_space<vmem>>, vector<1x16xf32>,
        %get3A_356 = vector.shape_cast %get3A_355 : vector<1x16xf32> to vector<16xf32>
        %add3A_357 = arith.addf %scan3A_294, %get3A_356 : vector<16xf32>
        %get3A_358 = arith.index_cast %scan3A_282 : i32 to index
        %get3A_359 = arith.constant 192 : index
        %get3A_360 = tpu.vector_load %arg9[%get3A_358, %get3A_359] {strides = array<i32>} : memref<104x256xf32, #tpu.memory_space<vmem>>, vector<1x16xf32>,
        %get3A_361 = vector.shape_cast %get3A_360 : vector<1x16xf32> to vector<16xf32>
        %add3A_362 = arith.addf %scan3A_295, %get3A_361 : vector<16xf32>
        %get3A_363 = arith.index_cast %scan3A_282 : i32 to index
        %get3A_364 = arith.constant 208 : index
        %get3A_365 = tpu.vector_load %arg9[%get3A_363, %get3A_364] {strides = array<i32>} : memref<104x256xf32, #tpu.memory_space<vmem>>, vector<1x16xf32>,
        %get3A_366 = vector.shape_cast %get3A_365 : vector<1x16xf32> to vector<16xf32>
        %add3A_367 = arith.addf %scan3A_296, %get3A_366 : vector<16xf32>
        %get3A_368 = arith.index_cast %scan3A_282 : i32 to index
        %get3A_369 = arith.constant 224 : index
        %get3A_370 = tpu.vector_load %arg9[%get3A_368, %get3A_369] {strides = array<i32>} : memref<104x256xf32, #tpu.memory_space<vmem>>, vector<1x16xf32>,
        %get3A_371 = vector.shape_cast %get3A_370 : vector<1x16xf32> to vector<16xf32>
        %add3A_372 = arith.addf %scan3A_297, %get3A_371 : vector<16xf32>
        %get3A_373 = arith.index_cast %scan3A_282 : i32 to index
        %get3A_374 = arith.constant 240 : index
        %get3A_375 = tpu.vector_load %arg9[%get3A_373, %get3A_374] {strides = array<i32>} : memref<104x256xf32, #tpu.memory_space<vmem>>, vector<1x16xf32>,
        %get3A_376 = vector.shape_cast %get3A_375 : vector<1x16xf32> to vector<16xf32>
        %add3A_377 = arith.addf %scan3A_298, %get3A_376 : vector<16xf32>
        scf.yield %add3A_302, %add3A_307, %add3A_312, %add3A_317, %add3A_322, %add3A_327, %add3A_332, %add3A_337, %add3A_342, %add3A_347, %add3A_352, %add3A_357, %add3A_362, %add3A_367, %add3A_372, %add3A_377 : vector<16xf32>, vector<16xf32>, vector<16xf32>, vector<16xf32>, vector<16xf32>, vector<16xf32>, vector<16xf32>, vector<16xf32>, vector<16xf32>, vector<16xf32>, vector<16xf32>, vector<16xf32>, vector<16xf32>, vector<16xf32>, vector<16xf32>, vector<16xf32>
      }
      %scan3A_201 = arith.constant 104 : i32
      %scan3A_202 = arith.constant 0 : i32
      %scan3A_203 = arith.constant 96 : i32
      %scan3A_204 = arith.addi %scan3A_202, %scan3A_203 : i32
      %scan3A_205 = arith.constant 1 : i32
      %scan3A_206:16 = scf.for %scan3A_282 = %scan3A_202 to %scan3A_204 step %scan3A_205 iter_args(%scan3A_283 = %scan3A_200#0, %scan3A_284 = %scan3A_200#1, %scan3A_285 = %scan3A_200#2, %scan3A_286 = %scan3A_200#3, %scan3A_287 = %scan3A_200#4, %scan3A_288 = %scan3A_200#5, %scan3A_289 = %scan3A_200#6, %scan3A_290 = %scan3A_200#7, %scan3A_291 = %scan3A_200#8, %scan3A_292 = %scan3A_200#9, %scan3A_293 = %scan3A_200#10, %scan3A_294 = %scan3A_200#11, %scan3A_295 = %scan3A_200#12, %scan3A_296 = %scan3A_200#13, %scan3A_297 = %scan3A_200#14, %scan3A_298 = %scan3A_200#15) -> (vector<16xf32>, vector<16xf32>, vector<16xf32>, vector<16xf32>, vector<16xf32>, vector<16xf32>, vector<16xf32>, vector<16xf32>, vector<16xf32>, vector<16xf32>, vector<16xf32>, vector<16xf32>, vector<16xf32>, vector<16xf32>, vector<16xf32>, vector<16xf32>)  : i32 {
        %get3A = arith.index_cast %scan3A_282 : i32 to index
        %get3A_299 = arith.constant 0 : index
        %get3A_300 = tpu.vector_load %arg10[%get3A, %get3A_299] {strides = array<i32>} : memref<96x256xf32, #tpu.memory_space<vmem>>, vector<1x16xf32>,
        %get3A_301 = vector.shape_cast %get3A_300 : vector<1x16xf32> to vector<16xf32>
        %add3A_302 = arith.addf %scan3A_283, %get3A_301 : vector<16xf32>
        %get3A_303 = arith.index_cast %scan3A_282 : i32 to index
        %get3A_304 = arith.constant 16 : index
        %get3A_305 = tpu.vector_load %arg10[%get3A_303, %get3A_304] {strides = array<i32>} : memref<96x256xf32, #tpu.memory_space<vmem>>, vector<1x16xf32>,
        %get3A_306 = vector.shape_cast %get3A_305 : vector<1x16xf32> to vector<16xf32>
        %add3A_307 = arith.addf %scan3A_284, %get3A_306 : vector<16xf32>
        %get3A_308 = arith.index_cast %scan3A_282 : i32 to index
        %get3A_309 = arith.constant 32 : index
        %get3A_310 = tpu.vector_load %arg10[%get3A_308, %get3A_309] {strides = array<i32>} : memref<96x256xf32, #tpu.memory_space<vmem>>, vector<1x16xf32>,
        %get3A_311 = vector.shape_cast %get3A_310 : vector<1x16xf32> to vector<16xf32>
        %add3A_312 = arith.addf %scan3A_285, %get3A_311 : vector<16xf32>
        %get3A_313 = arith.index_cast %scan3A_282 : i32 to index
        %get3A_314 = arith.constant 48 : index
        %get3A_315 = tpu.vector_load %arg10[%get3A_313, %get3A_314] {strides = array<i32>} : memref<96x256xf32, #tpu.memory_space<vmem>>, vector<1x16xf32>,
        %get3A_316 = vector.shape_cast %get3A_315 : vector<1x16xf32> to vector<16xf32>
        %add3A_317 = arith.addf %scan3A_286, %get3A_316 : vector<16xf32>
        %get3A_318 = arith.index_cast %scan3A_282 : i32 to index
        %get3A_319 = arith.constant 64 : index
        %get3A_320 = tpu.vector_load %arg10[%get3A_318, %get3A_319] {strides = array<i32>} : memref<96x256xf32, #tpu.memory_space<vmem>>, vector<1x16xf32>,
        %get3A_321 = vector.shape_cast %get3A_320 : vector<1x16xf32> to vector<16xf32>
        %add3A_322 = arith.addf %scan3A_287, %get3A_321 : vector<16xf32>
        %get3A_323 = arith.index_cast %scan3A_282 : i32 to index
        %get3A_324 = arith.constant 80 : index
        %get3A_325 = tpu.vector_load %arg10[%get3A_323, %get3A_324] {strides = array<i32>} : memref<96x256xf32, #tpu.memory_space<vmem>>, vector<1x16xf32>,
        %get3A_326 = vector.shape_cast %get3A_325 : vector<1x16xf32> to vector<16xf32>
        %add3A_327 = arith.addf %scan3A_288, %get3A_326 : vector<16xf32>
        %get3A_328 = arith.index_cast %scan3A_282 : i32 to index
        %get3A_329 = arith.constant 96 : index
        %get3A_330 = tpu.vector_load %arg10[%get3A_328, %get3A_329] {strides = array<i32>} : memref<96x256xf32, #tpu.memory_space<vmem>>, vector<1x16xf32>,
        %get3A_331 = vector.shape_cast %get3A_330 : vector<1x16xf32> to vector<16xf32>
        %add3A_332 = arith.addf %scan3A_289, %get3A_331 : vector<16xf32>
        %get3A_333 = arith.index_cast %scan3A_282 : i32 to index
        %get3A_334 = arith.constant 112 : index
        %get3A_335 = tpu.vector_load %arg10[%get3A_333, %get3A_334] {strides = array<i32>} : memref<96x256xf32, #tpu.memory_space<vmem>>, vector<1x16xf32>,
        %get3A_336 = vector.shape_cast %get3A_335 : vector<1x16xf32> to vector<16xf32>
        %add3A_337 = arith.addf %scan3A_290, %get3A_336 : vector<16xf32>
        %get3A_338 = arith.index_cast %scan3A_282 : i32 to index
        %get3A_339 = arith.constant 128 : index
        %get3A_340 = tpu.vector_load %arg10[%get3A_338, %get3A_339] {strides = array<i32>} : memref<96x256xf32, #tpu.memory_space<vmem>>, vector<1x16xf32>,
        %get3A_341 = vector.shape_cast %get3A_340 : vector<1x16xf32> to vector<16xf32>
        %add3A_342 = arith.addf %scan3A_291, %get3A_341 : vector<16xf32>
        %get3A_343 = arith.index_cast %scan3A_282 : i32 to index
        %get3A_344 = arith.constant 144 : index
        %get3A_345 = tpu.vector_load %arg10[%get3A_343, %get3A_344] {strides = array<i32>} : memref<96x256xf32, #tpu.memory_space<vmem>>, vector<1x16xf32>,
        %get3A_346 = vector.shape_cast %get3A_345 : vector<1x16xf32> to vector<16xf32>
        %add3A_347 = arith.addf %scan3A_292, %get3A_346 : vector<16xf32>
        %get3A_348 = arith.index_cast %scan3A_282 : i32 to index
        %get3A_349 = arith.constant 160 : index
        %get3A_350 = tpu.vector_load %arg10[%get3A_348, %get3A_349] {strides = array<i32>} : memref<96x256xf32, #tpu.memory_space<vmem>>, vector<1x16xf32>,
        %get3A_351 = vector.shape_cast %get3A_350 : vector<1x16xf32> to vector<16xf32>
        %add3A_352 = arith.addf %scan3A_293, %get3A_351 : vector<16xf32>
        %get3A_353 = arith.index_cast %scan3A_282 : i32 to index
        %get3A_354 = arith.constant 176 : index
        %get3A_355 = tpu.vector_load %arg10[%get3A_353, %get3A_354] {strides = array<i32>} : memref<96x256xf32, #tpu.memory_space<vmem>>, vector<1x16xf32>,
        %get3A_356 = vector.shape_cast %get3A_355 : vector<1x16xf32> to vector<16xf32>
        %add3A_357 = arith.addf %scan3A_294, %get3A_356 : vector<16xf32>
        %get3A_358 = arith.index_cast %scan3A_282 : i32 to index
        %get3A_359 = arith.constant 192 : index
        %get3A_360 = tpu.vector_load %arg10[%get3A_358, %get3A_359] {strides = array<i32>} : memref<96x256xf32, #tpu.memory_space<vmem>>, vector<1x16xf32>,
        %get3A_361 = vector.shape_cast %get3A_360 : vector<1x16xf32> to vector<16xf32>
        %add3A_362 = arith.addf %scan3A_295, %get3A_361 : vector<16xf32>
        %get3A_363 = arith.index_cast %scan3A_282 : i32 to index
        %get3A_364 = arith.constant 208 : index
        %get3A_365 = tpu.vector_load %arg10[%get3A_363, %get3A_364] {strides = array<i32>} : memref<96x256xf32, #tpu.memory_space<vmem>>, vector<1x16xf32>,
        %get3A_366 = vector.shape_cast %get3A_365 : vector<1x16xf32> to vector<16xf32>
        %add3A_367 = arith.addf %scan3A_296, %get3A_366 : vector<16xf32>
        %get3A_368 = arith.index_cast %scan3A_282 : i32 to index
        %get3A_369 = arith.constant 224 : index
        %get3A_370 = tpu.vector_load %arg10[%get3A_368, %get3A_369] {strides = array<i32>} : memref<96x256xf32, #tpu.memory_space<vmem>>, vector<1x16xf32>,
        %get3A_371 = vector.shape_cast %get3A_370 : vector<1x16xf32> to vector<16xf32>
        %add3A_372 = arith.addf %scan3A_297, %get3A_371 : vector<16xf32>
        %get3A_373 = arith.index_cast %scan3A_282 : i32 to index
        %get3A_374 = arith.constant 240 : index
        %get3A_375 = tpu.vector_load %arg10[%get3A_373, %get3A_374] {strides = array<i32>} : memref<96x256xf32, #tpu.memory_space<vmem>>, vector<1x16xf32>,
        %get3A_376 = vector.shape_cast %get3A_375 : vector<1x16xf32> to vector<16xf32>
        %add3A_377 = arith.addf %scan3A_298, %get3A_376 : vector<16xf32>
        scf.yield %add3A_302, %add3A_307, %add3A_312, %add3A_317, %add3A_322, %add3A_327, %add3A_332, %add3A_337, %add3A_342, %add3A_347, %add3A_352, %add3A_357, %add3A_362, %add3A_367, %add3A_372, %add3A_377 : vector<16xf32>, vector<16xf32>, vector<16xf32>, vector<16xf32>, vector<16xf32>, vector<16xf32>, vector<16xf32>, vector<16xf32>, vector<16xf32>, vector<16xf32>, vector<16xf32>, vector<16xf32>, vector<16xf32>, vector<16xf32>, vector<16xf32>, vector<16xf32>
      }
      %scan3A_207 = arith.constant 96 : i32
      %convert_element_type3A_208 = arith.extui %ge3A_176 : i1 to i32
      %cond3A_209 = arith.constant 0 : i32
      %cond3A_210 = arith.cmpi ne, %convert_element_type3A_208, %cond3A_209 : i32
      scf.if %cond3A_210 {
        %add3A_282 = arith.addi %mul3A_2, %add3A_174 : i32
        %dma_wait3A_283 = arith.constant 0 : i32
        %dma_wait3A_284 = tpu.memref_slice %arg4[%add3A_282, %dma_wait3A_283] : memref<16384x256xf32, #tpu.memory_space<hbm>> -> memref<1x256xf32, #tpu.memory_space<hbm>>
        %dma_wait3A_285 = tpu.memref_squeeze %dma_wait3A_284 : memref<1x256xf32, #tpu.memory_space<hbm>> -> memref<256xf32, #tpu.memory_space<hbm>>
        %dma_wait3A_286 = arith.constant 0 : i32
        %dma_wait3A_287 = tpu.memref_slice %arg4[%add3A_282, %dma_wait3A_286] : memref<16384x256xf32, #tpu.memory_space<hbm>> -> memref<1x256xf32, #tpu.memory_space<hbm>>
        %dma_wait3A_288 = tpu.memref_squeeze %dma_wait3A_287 : memref<1x256xf32, #tpu.memory_space<hbm>> -> memref<256xf32, #tpu.memory_space<hbm>>
        tpu.wait_dma2 semaphore(%arg17 : memref<!tpu.dma_semaphore, #tpu.memory_space<semaphore_mem>>) src(%arg12 : memref<256xf32, #tpu.memory_space<vmem>>) dst(%dma_wait3A_288 : memref<256xf32, #tpu.memory_space<hbm>>)
      } else {
      }
      %swap3A_211 = arith.constant 0 : index
      %swap3A_212 = tpu.vector_load %arg12[%swap3A_211] {strides = array<i32>} : memref<256xf32, #tpu.memory_space<vmem>>, vector<16xf32>,
      %swap3A_213 = vector.shape_cast %swap3A_212 : vector<16xf32> to vector<16xf32>
      %swap3A_214 = vector.shape_cast %scan3A_206#0 : vector<16xf32> to vector<16xf32>
      tpu.vector_store %arg12[%swap3A_211], %swap3A_214 {strides = array<i32>} : memref<256xf32, #tpu.memory_space<vmem>>, vector<16xf32>,
      %swap3A_215 = arith.constant 16 : index
      %swap3A_216 = tpu.vector_load %arg12[%swap3A_215] {strides = array<i32>} : memref<256xf32, #tpu.memory_space<vmem>>, vector<16xf32>,
      %swap3A_217 = vector.shape_cast %swap3A_216 : vector<16xf32> to vector<16xf32>
      %swap3A_218 = vector.shape_cast %scan3A_206#1 : vector<16xf32> to vector<16xf32>
      tpu.vector_store %arg12[%swap3A_215], %swap3A_218 {strides = array<i32>} : memref<256xf32, #tpu.memory_space<vmem>>, vector<16xf32>,
      %swap3A_219 = arith.constant 32 : index
      %swap3A_220 = tpu.vector_load %arg12[%swap3A_219] {strides = array<i32>} : memref<256xf32, #tpu.memory_space<vmem>>, vector<16xf32>,
      %swap3A_221 = vector.shape_cast %swap3A_220 : vector<16xf32> to vector<16xf32>
      %swap3A_222 = vector.shape_cast %scan3A_206#2 : vector<16xf32> to vector<16xf32>
      tpu.vector_store %arg12[%swap3A_219], %swap3A_222 {strides = array<i32>} : memref<256xf32, #tpu.memory_space<vmem>>, vector<16xf32>,
      %swap3A_223 = arith.constant 48 : index
      %swap3A_224 = tpu.vector_load %arg12[%swap3A_223] {strides = array<i32>} : memref<256xf32, #tpu.memory_space<vmem>>, vector<16xf32>,
      %swap3A_225 = vector.shape_cast %swap3A_224 : vector<16xf32> to vector<16xf32>
      %swap3A_226 = vector.shape_cast %scan3A_206#3 : vector<16xf32> to vector<16xf32>
      tpu.vector_store %arg12[%swap3A_223], %swap3A_226 {strides = array<i32>} : memref<256xf32, #tpu.memory_space<vmem>>, vector<16xf32>,
      %swap3A_227 = arith.constant 64 : index
      %swap3A_228 = tpu.vector_load %arg12[%swap3A_227] {strides = array<i32>} : memref<256xf32, #tpu.memory_space<vmem>>, vector<16xf32>,
      %swap3A_229 = vector.shape_cast %swap3A_228 : vector<16xf32> to vector<16xf32>
      %swap3A_230 = vector.shape_cast %scan3A_206#4 : vector<16xf32> to vector<16xf32>
      tpu.vector_store %arg12[%swap3A_227], %swap3A_230 {strides = array<i32>} : memref<256xf32, #tpu.memory_space<vmem>>, vector<16xf32>,
      %swap3A_231 = arith.constant 80 : index
      %swap3A_232 = tpu.vector_load %arg12[%swap3A_231] {strides = array<i32>} : memref<256xf32, #tpu.memory_space<vmem>>, vector<16xf32>,
      %swap3A_233 = vector.shape_cast %swap3A_232 : vector<16xf32> to vector<16xf32>
      %swap3A_234 = vector.shape_cast %scan3A_206#5 : vector<16xf32> to vector<16xf32>
      tpu.vector_store %arg12[%swap3A_231], %swap3A_234 {strides = array<i32>} : memref<256xf32, #tpu.memory_space<vmem>>, vector<16xf32>,
      %swap3A_235 = arith.constant 96 : index
      %swap3A_236 = tpu.vector_load %arg12[%swap3A_235] {strides = array<i32>} : memref<256xf32, #tpu.memory_space<vmem>>, vector<16xf32>,
      %swap3A_237 = vector.shape_cast %swap3A_236 : vector<16xf32> to vector<16xf32>
      %swap3A_238 = vector.shape_cast %scan3A_206#6 : vector<16xf32> to vector<16xf32>
      tpu.vector_store %arg12[%swap3A_235], %swap3A_238 {strides = array<i32>} : memref<256xf32, #tpu.memory_space<vmem>>, vector<16xf32>,
      %swap3A_239 = arith.constant 112 : index
      %swap3A_240 = tpu.vector_load %arg12[%swap3A_239] {strides = array<i32>} : memref<256xf32, #tpu.memory_space<vmem>>, vector<16xf32>,
      %swap3A_241 = vector.shape_cast %swap3A_240 : vector<16xf32> to vector<16xf32>
      %swap3A_242 = vector.shape_cast %scan3A_206#7 : vector<16xf32> to vector<16xf32>
      tpu.vector_store %arg12[%swap3A_239], %swap3A_242 {strides = array<i32>} : memref<256xf32, #tpu.memory_space<vmem>>, vector<16xf32>,
      %swap3A_243 = arith.constant 128 : index
      %swap3A_244 = tpu.vector_load %arg12[%swap3A_243] {strides = array<i32>} : memref<256xf32, #tpu.memory_space<vmem>>, vector<16xf32>,
      %swap3A_245 = vector.shape_cast %swap3A_244 : vector<16xf32> to vector<16xf32>
      %swap3A_246 = vector.shape_cast %scan3A_206#8 : vector<16xf32> to vector<16xf32>
      tpu.vector_store %arg12[%swap3A_243], %swap3A_246 {strides = array<i32>} : memref<256xf32, #tpu.memory_space<vmem>>, vector<16xf32>,
      %swap3A_247 = arith.constant 144 : index
      %swap3A_248 = tpu.vector_load %arg12[%swap3A_247] {strides = array<i32>} : memref<256xf32, #tpu.memory_space<vmem>>, vector<16xf32>,
      %swap3A_249 = vector.shape_cast %swap3A_248 : vector<16xf32> to vector<16xf32>
      %swap3A_250 = vector.shape_cast %scan3A_206#9 : vector<16xf32> to vector<16xf32>
      tpu.vector_store %arg12[%swap3A_247], %swap3A_250 {strides = array<i32>} : memref<256xf32, #tpu.memory_space<vmem>>, vector<16xf32>,
      %swap3A_251 = arith.constant 160 : index
      %swap3A_252 = tpu.vector_load %arg12[%swap3A_251] {strides = array<i32>} : memref<256xf32, #tpu.memory_space<vmem>>, vector<16xf32>,
      %swap3A_253 = vector.shape_cast %swap3A_252 : vector<16xf32> to vector<16xf32>
      %swap3A_254 = vector.shape_cast %scan3A_206#10 : vector<16xf32> to vector<16xf32>
      tpu.vector_store %arg12[%swap3A_251], %swap3A_254 {strides = array<i32>} : memref<256xf32, #tpu.memory_space<vmem>>, vector<16xf32>,
      %swap3A_255 = arith.constant 176 : index
      %swap3A_256 = tpu.vector_load %arg12[%swap3A_255] {strides = array<i32>} : memref<256xf32, #tpu.memory_space<vmem>>, vector<16xf32>,
      %swap3A_257 = vector.shape_cast %swap3A_256 : vector<16xf32> to vector<16xf32>
      %swap3A_258 = vector.shape_cast %scan3A_206#11 : vector<16xf32> to vector<16xf32>
      tpu.vector_store %arg12[%swap3A_255], %swap3A_258 {strides = array<i32>} : memref<256xf32, #tpu.memory_space<vmem>>, vector<16xf32>,
      %swap3A_259 = arith.constant 192 : index
      %swap3A_260 = tpu.vector_load %arg12[%swap3A_259] {strides = array<i32>} : memref<256xf32, #tpu.memory_space<vmem>>, vector<16xf32>,
      %swap3A_261 = vector.shape_cast %swap3A_260 : vector<16xf32> to vector<16xf32>
      %swap3A_262 = vector.shape_cast %scan3A_206#12 : vector<16xf32> to vector<16xf32>
      tpu.vector_store %arg12[%swap3A_259], %swap3A_262 {strides = array<i32>} : memref<256xf32, #tpu.memory_space<vmem>>, vector<16xf32>,
      %swap3A_263 = arith.constant 208 : index
      %swap3A_264 = tpu.vector_load %arg12[%swap3A_263] {strides = array<i32>} : memref<256xf32, #tpu.memory_space<vmem>>, vector<16xf32>,
      %swap3A_265 = vector.shape_cast %swap3A_264 : vector<16xf32> to vector<16xf32>
      %swap3A_266 = vector.shape_cast %scan3A_206#13 : vector<16xf32> to vector<16xf32>
      tpu.vector_store %arg12[%swap3A_263], %swap3A_266 {strides = array<i32>} : memref<256xf32, #tpu.memory_space<vmem>>, vector<16xf32>,
      %swap3A_267 = arith.constant 224 : index
      %swap3A_268 = tpu.vector_load %arg12[%swap3A_267] {strides = array<i32>} : memref<256xf32, #tpu.memory_space<vmem>>, vector<16xf32>,
      %swap3A_269 = vector.shape_cast %swap3A_268 : vector<16xf32> to vector<16xf32>
      %swap3A_270 = vector.shape_cast %scan3A_206#14 : vector<16xf32> to vector<16xf32>
      tpu.vector_store %arg12[%swap3A_267], %swap3A_270 {strides = array<i32>} : memref<256xf32, #tpu.memory_space<vmem>>, vector<16xf32>,
      %swap3A_271 = arith.constant 240 : index
      %swap3A_272 = tpu.vector_load %arg12[%swap3A_271] {strides = array<i32>} : memref<256xf32, #tpu.memory_space<vmem>>, vector<16xf32>,
      %swap3A_273 = vector.shape_cast %swap3A_272 : vector<16xf32> to vector<16xf32>
      %swap3A_274 = vector.shape_cast %scan3A_206#15 : vector<16xf32> to vector<16xf32>
      tpu.vector_store %arg12[%swap3A_271], %swap3A_274 {strides = array<i32>} : memref<256xf32, #tpu.memory_space<vmem>>, vector<16xf32>,
      %add3A_275 = arith.addi %mul3A_2, %add3A_174 : i32
      %dma_start3A_276 = arith.constant 0 : i32
      %dma_start3A_277 = tpu.memref_slice %arg4[%add3A_275, %dma_start3A_276] : memref<16384x256xf32, #tpu.memory_space<hbm>> -> memref<1x256xf32, #tpu.memory_space<hbm>>
      %dma_start3A_278 = tpu.memref_squeeze %dma_start3A_277 : memref<1x256xf32, #tpu.memory_space<hbm>> -> memref<256xf32, #tpu.memory_space<hbm>>
      %dma_start3A_279 = arith.constant 0 : i32
      %dma_start3A_280 = tpu.memref_slice %arg4[%add3A_275, %dma_start3A_279] : memref<16384x256xf32, #tpu.memory_space<hbm>> -> memref<1x256xf32, #tpu.memory_space<hbm>>
      %dma_start3A_281 = tpu.memref_squeeze %dma_start3A_280 : memref<1x256xf32, #tpu.memory_space<hbm>> -> memref<256xf32, #tpu.memory_space<hbm>>
      tpu.enqueue_dma source(%arg12 : memref<256xf32, #tpu.memory_space<vmem>>) target(%dma_start3A_281 : memref<256xf32, #tpu.memory_space<hbm>>) target_semaphore(%arg17 : memref<!tpu.dma_semaphore, #tpu.memory_space<semaphore_mem>>)
    }
    %scan3A_24 = arith.constant 256 : i32
    %add3A_25 = arith.constant 512 : i32
    %add3A_26 = arith.addi %mul3A_2, %add3A_25 : i32
    %sub3A = arith.constant 2 : i32
    %sub3A_27 = arith.subi %add3A_26, %sub3A : i32
    %dma_wait3A = arith.constant 0 : i32
    %dma_wait3A_28 = tpu.memref_slice %arg4[%sub3A_27, %dma_wait3A] : memref<16384x256xf32, #tpu.memory_space<hbm>> -> memref<1x256xf32, #tpu.memory_space<hbm>>
    %dma_wait3A_29 = tpu.memref_squeeze %dma_wait3A_28 : memref<1x256xf32, #tpu.memory_space<hbm>> -> memref<256xf32, #tpu.memory_space<hbm>>
    %dma_wait3A_30 = arith.constant 0 : i32
    %dma_wait3A_31 = tpu.memref_slice %arg4[%sub3A_27, %dma_wait3A_30] : memref<16384x256xf32, #tpu.memory_space<hbm>> -> memref<1x256xf32, #tpu.memory_space<hbm>>
    %dma_wait3A_32 = tpu.memref_squeeze %dma_wait3A_31 : memref<1x256xf32, #tpu.memory_space<hbm>> -> memref<256xf32, #tpu.memory_space<hbm>>
    tpu.wait_dma2 semaphore(%arg16 : memref<!tpu.dma_semaphore, #tpu.memory_space<semaphore_mem>>) src(%arg11 : memref<256xf32, #tpu.memory_space<vmem>>) dst(%dma_wait3A_32 : memref<256xf32, #tpu.memory_space<hbm>>)
    %add3A_33 = arith.constant 512 : i32
    %add3A_34 = arith.addi %mul3A_2, %add3A_33 : i32
    %sub3A_35 = arith.constant 1 : i32
    %sub3A_36 = arith.subi %add3A_34, %sub3A_35 : i32
    %dma_wait3A_37 = arith.constant 0 : i32
    %dma_wait3A_38 = tpu.memref_slice %arg4[%sub3A_36, %dma_wait3A_37] : memref<16384x256xf32, #tpu.memory_space<hbm>> -> memref<1x256xf32, #tpu.memory_space<hbm>>
    %dma_wait3A_39 = tpu.memref_squeeze %dma_wait3A_38 : memref<1x256xf32, #tpu.memory_space<hbm>> -> memref<256xf32, #tpu.memory_space<hbm>>
    %dma_wait3A_40 = arith.constant 0 : i32
    %dma_wait3A_41 = tpu.memref_slice %arg4[%sub3A_36, %dma_wait3A_40] : memref<16384x256xf32, #tpu.memory_space<hbm>> -> memref<1x256xf32, #tpu.memory_space<hbm>>
    %dma_wait3A_42 = tpu.memref_squeeze %dma_wait3A_41 : memref<1x256xf32, #tpu.memory_space<hbm>> -> memref<256xf32, #tpu.memory_space<hbm>>
    tpu.wait_dma2 semaphore(%arg17 : memref<!tpu.dma_semaphore, #tpu.memory_space<semaphore_mem>>) src(%arg12 : memref<256xf32, #tpu.memory_space<vmem>>) dst(%dma_wait3A_42 : memref<256xf32, #tpu.memory_space<hbm>>)
    return
  }
}

module attributes {stable_mosaic.version = 14 : i64} {
  func.func @_proj_kernel(%arg0: i32, %arg1: memref<2048x300xf32, #tpu.memory_space<vmem>>, %arg2: memref<300x256xf32, #tpu.memory_space<vmem>>, %arg3: memref<2048x256xf32, #tpu.memory_space<vmem>>) attributes {dimension_semantics = [#tpu.dimension_semantics<arbitrary>], iteration_bounds = array<i64: 47>, scalar_prefetch = 0 : i64, scratch_operands = 0 : i64, tpu.core_type = #tpu.core_type<tc>, window_params = [{transform_indices = @transform_0, window_bounds = array<i64: 2048, 300>}, {pipeline_mode = #tpu.pipeline_mode<synchronous>, transform_indices = @transform_1, window_bounds = array<i64: 300, 256>}, {transform_indices = @transform_2, window_bounds = array<i64: 2048, 256>}]} {
    %get3A = arith.constant 0 : index
    %get3A_0 = arith.constant 0 : index
    %get3A_1 = vector.load %arg1[%get3A, %get3A_0] : memref<2048x300xf32, #tpu.memory_space<vmem>>, vector<2048x300xf32>
    %get3A_2 = arith.constant 0 : index
    %get3A_3 = arith.constant 0 : index
    %get3A_4 = vector.load %arg2[%get3A_2, %get3A_3] : memref<300x256xf32, #tpu.memory_space<vmem>>, vector<300x256xf32>
    %dot_general3A = arith.constant dense<0.000000e+00> : vector<2048x256xf32>
    %dot_general3A_5 = tpu.matmul %get3A_1, %get3A_4, %dot_general3A {dimension_numbers = #tpu.dot_dimension_numbers<[1], [0], [0], [1], [0, 0, 1, 1], [], []>, transpose_lhs_hint = false} : vector<2048x300xf32>, vector<300x256xf32>, vector<2048x256xf32> -> vector<2048x256xf32>
    %swap3A = arith.constant 0 : index
    %swap3A_6 = arith.constant 0 : index
    %swap3A_7 = vector.load %arg3[%swap3A, %swap3A_6] : memref<2048x256xf32, #tpu.memory_space<vmem>>, vector<2048x256xf32>
    tpu.vector_store %arg3[%swap3A, %swap3A_6], %dot_general3A_5 {strides = array<i32>} : memref<2048x256xf32, #tpu.memory_space<vmem>>, vector<2048x256xf32>,
    return
  }
  func.func @transform_0(%arg0: i32) -> (i32, i32) {
    %c0_i32 = arith.constant 0 : i32
    %c0_i32_0 = arith.constant 0 : i32
    return %arg0, %c0_i32 : i32, i32
  }
  func.func @transform_1(%arg0: i32) -> (i32, i32) {
    %c0_i32 = arith.constant 0 : i32
    %c0_i32_0 = arith.constant 0 : i32
    %c0_i32_1 = arith.constant 0 : i32
    return %c0_i32, %c0_i32_0 : i32, i32
  }
  func.func @transform_2(%arg0: i32) -> (i32, i32) {
    %c0_i32 = arith.constant 0 : i32
    %c0_i32_0 = arith.constant 0 : i32
    return %arg0, %c0_i32 : i32, i32
  }
}

module attributes {stable_mosaic.version = 14 : i64} {
  func.func @_stats_kernel(%arg0: i32, %arg1: memref<512x256xf32, #tpu.memory_space<vmem>>, %arg2: memref<1x256xf32, #tpu.memory_space<vmem>>, %arg3: memref<1x256xf32, #tpu.memory_space<vmem>>) attributes {dimension_semantics = [#tpu.dimension_semantics<arbitrary>], iteration_bounds = array<i64: 32>, scalar_prefetch = 0 : i64, scratch_operands = 0 : i64, tpu.core_type = #tpu.core_type<tc>, window_params = [{transform_indices = @transform_0, window_bounds = array<i64: 512, 256>}, {pipeline_mode = #tpu.pipeline_mode<synchronous>, transform_indices = @transform_1, window_bounds = array<i64: 1, 256>}, {pipeline_mode = #tpu.pipeline_mode<synchronous>, transform_indices = @transform_2, window_bounds = array<i64: 1, 256>}]} {
    %eq3A = arith.constant 0 : i32
    %eq3A_0 = arith.cmpi eq, %arg0, %eq3A : i32
    %convert_element_type3A = arith.extui %eq3A_0 : i1 to i32
    %cond3A = arith.constant 0 : i32
    %cond3A_1 = arith.cmpi ne, %convert_element_type3A, %cond3A : i32
    scf.if %cond3A_1 {
      %broadcast_in_dim3A_20 = arith.constant 0.000000e+00 : f32
      %broadcast_in_dim3A_21 = vector.broadcast %broadcast_in_dim3A_20 : f32 to vector<1x256xf32>
      %swap3A_22 = arith.constant 0 : index
      %swap3A_23 = arith.constant 0 : index
      %swap3A_24 = vector.load %arg2[%swap3A_22, %swap3A_23] : memref<1x256xf32, #tpu.memory_space<vmem>>, vector<1x256xf32>
      tpu.vector_store %arg2[%swap3A_22, %swap3A_23], %broadcast_in_dim3A_21 {strides = array<i32>} : memref<1x256xf32, #tpu.memory_space<vmem>>, vector<1x256xf32>,
      %broadcast_in_dim3A_25 = arith.constant 0.000000e+00 : f32
      %broadcast_in_dim3A_26 = vector.broadcast %broadcast_in_dim3A_25 : f32 to vector<1x256xf32>
      %swap3A_27 = arith.constant 0 : index
      %swap3A_28 = arith.constant 0 : index
      %swap3A_29 = vector.load %arg3[%swap3A_27, %swap3A_28] : memref<1x256xf32, #tpu.memory_space<vmem>>, vector<1x256xf32>
      tpu.vector_store %arg3[%swap3A_27, %swap3A_28], %broadcast_in_dim3A_26 {strides = array<i32>} : memref<1x256xf32, #tpu.memory_space<vmem>>, vector<1x256xf32>,
    } else {
    }
    %get3A = arith.constant 0 : index
    %get3A_2 = arith.constant 0 : index
    %get3A_3 = vector.load %arg1[%get3A, %get3A_2] : memref<512x256xf32, #tpu.memory_space<vmem>>, vector<512x256xf32>
    %get3A_4 = arith.constant 0 : index
    %get3A_5 = arith.constant 0 : index
    %get3A_6 = vector.load %arg2[%get3A_4, %get3A_5] : memref<1x256xf32, #tpu.memory_space<vmem>>, vector<1x256xf32>
    %reduce_sum3A = arith.constant dense<0.000000e+00> : vector<256xf32>
    %reduce_sum3A_7 = vector.multi_reduction <add>, %get3A_3, %reduce_sum3A [0] : vector<512x256xf32> to vector<256xf32>
    %broadcast_in_dim3A = vector.shape_cast %reduce_sum3A_7 : vector<256xf32> to vector<1x256xf32>
    %add3A = arith.addf %get3A_6, %broadcast_in_dim3A : vector<1x256xf32>
    %swap3A = arith.constant 0 : index
    %swap3A_8 = arith.constant 0 : index
    %swap3A_9 = vector.load %arg2[%swap3A, %swap3A_8] : memref<1x256xf32, #tpu.memory_space<vmem>>, vector<1x256xf32>
    tpu.vector_store %arg2[%swap3A, %swap3A_8], %add3A {strides = array<i32>} : memref<1x256xf32, #tpu.memory_space<vmem>>, vector<1x256xf32>,
    %get3A_10 = arith.constant 0 : index
    %get3A_11 = arith.constant 0 : index
    %get3A_12 = vector.load %arg3[%get3A_10, %get3A_11] : memref<1x256xf32, #tpu.memory_space<vmem>>, vector<1x256xf32>
    %mul3A = arith.mulf %get3A_3, %get3A_3 : vector<512x256xf32>
    %reduce_sum3A_13 = arith.constant dense<0.000000e+00> : vector<256xf32>
    %reduce_sum3A_14 = vector.multi_reduction <add>, %mul3A, %reduce_sum3A_13 [0] : vector<512x256xf32> to vector<256xf32>
    %broadcast_in_dim3A_15 = vector.shape_cast %reduce_sum3A_14 : vector<256xf32> to vector<1x256xf32>
    %add3A_16 = arith.addf %get3A_12, %broadcast_in_dim3A_15 : vector<1x256xf32>
    %swap3A_17 = arith.constant 0 : index
    %swap3A_18 = arith.constant 0 : index
    %swap3A_19 = vector.load %arg3[%swap3A_17, %swap3A_18] : memref<1x256xf32, #tpu.memory_space<vmem>>, vector<1x256xf32>
    tpu.vector_store %arg3[%swap3A_17, %swap3A_18], %add3A_16 {strides = array<i32>} : memref<1x256xf32, #tpu.memory_space<vmem>>, vector<1x256xf32>,
    return
  }
  func.func @transform_0(%arg0: i32) -> (i32, i32) {
    %c0_i32 = arith.constant 0 : i32
    %c0_i32_0 = arith.constant 0 : i32
    return %arg0, %c0_i32 : i32, i32
  }
  func.func @transform_1(%arg0: i32) -> (i32, i32) {
    %c0_i32 = arith.constant 0 : i32
    %c0_i32_0 = arith.constant 0 : i32
    %c0_i32_1 = arith.constant 0 : i32
    return %c0_i32, %c0_i32_0 : i32, i32
  }
  func.func @transform_2(%arg0: i32) -> (i32, i32) {
    %c0_i32 = arith.constant 0 : i32
    %c0_i32_0 = arith.constant 0 : i32
    %c0_i32_1 = arith.constant 0 : i32
    return %c0_i32, %c0_i32_0 : i32, i32
  }
}

module attributes {stable_mosaic.version = 14 : i64} {
  func.func @_apply_kernel(%arg0: i32, %arg1: memref<1024x256xf32, #tpu.memory_space<vmem>>, %arg2: memref<1x256xf32, #tpu.memory_space<vmem>>, %arg3: memref<1x256xf32, #tpu.memory_space<vmem>>, %arg4: memref<1x256xf32, #tpu.memory_space<vmem>>, %arg5: memref<1x256xf32, #tpu.memory_space<vmem>>, %arg6: memref<1x256xf32, #tpu.memory_space<vmem>>, %arg7: memref<256x4xf32, #tpu.memory_space<vmem>>, %arg8: memref<1x4xf32, #tpu.memory_space<vmem>>, %arg9: memref<1024x4xf32, #tpu.memory_space<vmem>>) attributes {dimension_semantics = [#tpu.dimension_semantics<arbitrary>], iteration_bounds = array<i64: 16>, scalar_prefetch = 0 : i64, scratch_operands = 0 : i64, tpu.core_type = #tpu.core_type<tc>, window_params = [{transform_indices = @transform_0, window_bounds = array<i64: 1024, 256>}, {pipeline_mode = #tpu.pipeline_mode<synchronous>, transform_indices = @transform_1, window_bounds = array<i64: 1, 256>}, {pipeline_mode = #tpu.pipeline_mode<synchronous>, transform_indices = @transform_2, window_bounds = array<i64: 1, 256>}, {pipeline_mode = #tpu.pipeline_mode<synchronous>, transform_indices = @transform_3, window_bounds = array<i64: 1, 256>}, {pipeline_mode = #tpu.pipeline_mode<synchronous>, transform_indices = @transform_4, window_bounds = array<i64: 1, 256>}, {pipeline_mode = #tpu.pipeline_mode<synchronous>, transform_indices = @transform_5, window_bounds = array<i64: 1, 256>}, {pipeline_mode = #tpu.pipeline_mode<synchronous>, transform_indices = @transform_6, window_bounds = array<i64: 256, 4>}, {pipeline_mode = #tpu.pipeline_mode<synchronous>, transform_indices = @transform_7, window_bounds = array<i64: 1, 4>}, {transform_indices = @transform_8, window_bounds = array<i64: 1024, 4>}]} {
    %get3A = arith.constant 0 : index
    %get3A_0 = arith.constant 0 : index
    %get3A_1 = vector.load %arg2[%get3A, %get3A_0] : memref<1x256xf32, #tpu.memory_space<vmem>>, vector<1x256xf32>
    %mul3A = arith.constant 6.10351563E-5 : f32
    %mul3A_2 = vector.broadcast %mul3A : f32 to vector<1x256xf32>
    %mul3A_3 = arith.mulf %get3A_1, %mul3A_2 : vector<1x256xf32>
    %get3A_4 = arith.constant 0 : index
    %get3A_5 = arith.constant 0 : index
    %get3A_6 = vector.load %arg3[%get3A_4, %get3A_5] : memref<1x256xf32, #tpu.memory_space<vmem>>, vector<1x256xf32>
    %mul3A_7 = arith.constant 6.10351563E-5 : f32
    %mul3A_8 = vector.broadcast %mul3A_7 : f32 to vector<1x256xf32>
    %mul3A_9 = arith.mulf %get3A_6, %mul3A_8 : vector<1x256xf32>
    %mul3A_10 = arith.mulf %mul3A_3, %mul3A_3 : vector<1x256xf32>
    %sub3A = arith.subf %mul3A_9, %mul3A_10 : vector<1x256xf32>
    %mul3A_11 = arith.constant 2.500000e-05 : f32
    %mul3A_12 = vector.broadcast %mul3A_11 : f32 to vector<1x256xf32>
    %mul3A_13 = arith.mulf %sub3A, %mul3A_12 : vector<1x256xf32>
    %add3A = arith.constant 9.99999974E-6 : f32
    %add3A_14 = vector.broadcast %add3A : f32 to vector<1x256xf32>
    %add3A_15 = arith.addf %mul3A_13, %add3A_14 : vector<1x256xf32>
    %rsqrt3A = math.rsqrt %add3A_15 : vector<1x256xf32>
    %get3A_16 = arith.constant 0 : index
    %get3A_17 = arith.constant 0 : index
    %get3A_18 = vector.load %arg5[%get3A_16, %get3A_17] : memref<1x256xf32, #tpu.memory_space<vmem>>, vector<1x256xf32>
    %mul3A_19 = arith.mulf %get3A_18, %rsqrt3A : vector<1x256xf32>
    %mul3A_20 = arith.constant 5.000000e-03 : f32
    %mul3A_21 = vector.broadcast %mul3A_20 : f32 to vector<1x256xf32>
    %mul3A_22 = arith.mulf %mul3A_19, %mul3A_21 : vector<1x256xf32>
    %get3A_23 = arith.constant 0 : index
    %get3A_24 = arith.constant 0 : index
    %get3A_25 = vector.load %arg1[%get3A_23, %get3A_24] : memref<1024x256xf32, #tpu.memory_space<vmem>>, vector<1024x256xf32>
    %sub3A_26 = vector.broadcast %mul3A_3 : vector<1x256xf32> to vector<1024x256xf32>
    %sub3A_27 = arith.subf %get3A_25, %sub3A_26 : vector<1024x256xf32>
    %mul3A_28 = vector.broadcast %mul3A_22 : vector<1x256xf32> to vector<1024x256xf32>
    %mul3A_29 = arith.mulf %sub3A_27, %mul3A_28 : vector<1024x256xf32>
    %get3A_30 = arith.constant 0 : index
    %get3A_31 = arith.constant 0 : index
    %get3A_32 = vector.load %arg6[%get3A_30, %get3A_31] : memref<1x256xf32, #tpu.memory_space<vmem>>, vector<1x256xf32>
    %add3A_33 = vector.broadcast %get3A_32 : vector<1x256xf32> to vector<1024x256xf32>
    %add3A_34 = arith.addf %mul3A_29, %add3A_33 : vector<1024x256xf32>
    %max3A = arith.constant 0.000000e+00 : f32
    %max3A_35 = vector.broadcast %max3A : f32 to vector<1024x256xf32>
    %max3A_36 = arith.maximumf %add3A_34, %max3A_35 : vector<1024x256xf32>
    %get3A_37 = arith.constant 0 : index
    %get3A_38 = arith.constant 0 : index
    %get3A_39 = vector.load %arg7[%get3A_37, %get3A_38] : memref<256x4xf32, #tpu.memory_space<vmem>>, vector<256x4xf32>
    %dot_general3A = arith.constant dense<0.000000e+00> : vector<1024x4xf32>
    %dot_general3A_40 = tpu.matmul %max3A_36, %get3A_39, %dot_general3A {dimension_numbers = #tpu.dot_dimension_numbers<[1], [0], [0], [1], [0, 0, 1, 1], [], []>, transpose_lhs_hint = false} : vector<1024x256xf32>, vector<256x4xf32>, vector<1024x4xf32> -> vector<1024x4xf32>
    %get3A_41 = arith.constant 0 : index
    %get3A_42 = arith.constant 0 : index
    %get3A_43 = vector.load %arg8[%get3A_41, %get3A_42] : memref<1x4xf32, #tpu.memory_space<vmem>>, vector<1x4xf32>
    %add3A_44 = vector.broadcast %get3A_43 : vector<1x4xf32> to vector<1024x4xf32>
    %add3A_45 = arith.addf %dot_general3A_40, %add3A_44 : vector<1024x4xf32>
    %swap3A = arith.constant 0 : index
    %swap3A_46 = arith.constant 0 : index
    %swap3A_47 = vector.load %arg9[%swap3A, %swap3A_46] : memref<1024x4xf32, #tpu.memory_space<vmem>>, vector<1024x4xf32>
    tpu.vector_store %arg9[%swap3A, %swap3A_46], %add3A_45 {strides = array<i32>} : memref<1024x4xf32, #tpu.memory_space<vmem>>, vector<1024x4xf32>,
    return
  }
  func.func @transform_0(%arg0: i32) -> (i32, i32) {
    %c0_i32 = arith.constant 0 : i32
    %c0_i32_0 = arith.constant 0 : i32
    return %arg0, %c0_i32 : i32, i32
  }
  func.func @transform_1(%arg0: i32) -> (i32, i32) {
    %c0_i32 = arith.constant 0 : i32
    %c0_i32_0 = arith.constant 0 : i32
    %c0_i32_1 = arith.constant 0 : i32
    return %c0_i32, %c0_i32_0 : i32, i32
  }
  func.func @transform_2(%arg0: i32) -> (i32, i32) {
    %c0_i32 = arith.constant 0 : i32
    %c0_i32_0 = arith.constant 0 : i32
    %c0_i32_1 = arith.constant 0 : i32
    return %c0_i32, %c0_i32_0 : i32, i32
  }
  func.func @transform_3(%arg0: i32) -> (i32, i32) {
    %c0_i32 = arith.constant 0 : i32
    %c0_i32_0 = arith.constant 0 : i32
    %c0_i32_1 = arith.constant 0 : i32
    return %c0_i32, %c0_i32_0 : i32, i32
  }
  func.func @transform_4(%arg0: i32) -> (i32, i32) {
    %c0_i32 = arith.constant 0 : i32
    %c0_i32_0 = arith.constant 0 : i32
    %c0_i32_1 = arith.constant 0 : i32
    return %c0_i32, %c0_i32_0 : i32, i32
  }
  func.func @transform_5(%arg0: i32) -> (i32, i32) {
    %c0_i32 = arith.constant 0 : i32
    %c0_i32_0 = arith.constant 0 : i32
    %c0_i32_1 = arith.constant 0 : i32
    return %c0_i32, %c0_i32_0 : i32, i32
  }
  func.func @transform_6(%arg0: i32) -> (i32, i32) {
    %c0_i32 = arith.constant 0 : i32
    %c0_i32_0 = arith.constant 0 : i32
    %c0_i32_1 = arith.constant 0 : i32
    return %c0_i32, %c0_i32_0 : i32, i32
  }
  func.func @transform_7(%arg0: i32) -> (i32, i32) {
    %c0_i32 = arith.constant 0 : i32
    %c0_i32_0 = arith.constant 0 : i32
    %c0_i32_1 = arith.constant 0 : i32
    return %c0_i32, %c0_i32_0 : i32, i32
  }
  func.func @transform_8(%arg0: i32) -> (i32, i32) {
    %c0_i32 = arith.constant 0 : i32
    %c0_i32_0 = arith.constant 0 : i32
    return %arg0, %c0_i32 : i32, i32
  }
}

</mosaic_0001>

<sc_bundles>
// kernel: kernel.6.cloned.1.call-start
scs
__scs_entry_jumppad:
0x0: {  	(pc) =	sbr.rel $0x88, $3  }
0x1: {  	(tag) =	ssettag $0x0;
	lr =	simm.s32 $0x1  }
0x2: {  	[smem:$0x3F99] =	sst lr;
	_ =	strace $0xD0000000  }
0x3: {  	_ = 	snop  }
0x4: {  	_ = 	snop  }
0x5: {  	_ = 	snop  }
0x6: {  	_ = 	snop  }
0x7: {  	_ = 	snop  }
__scs_overlays_trampoline_lowered:
0x8: {  	[smem:$0x3FA8] =	sst s0  }
0x9: {  	[smem:$0x3FA9] =	sst s1  }
0xa: {  	[smem:$0x3FAA] =	sst s2  }
0xb: {  	[smem:$0x3FAB] =	sst s3  }
0xc: {  	[smem:$0x3FAC] =	sst s4  }
0xd: {  	[smem:$0x3FAD] =	sst s5  }
0xe: {  	[smem:$0x3FAE] =	sst s6  }
0xf: {  	[smem:$0x3FAF] =	sst s7  }
0x10: {  	[smem:$0x3FB0] =	sst s8  }
0x11: {  	[smem:$0x3FB1] =	sst s9;
	s0 =	simm.s32 @!p0 $0x0  }
0x12: {  	s1 =	sld [smem:$0x3F97];
	s0 =	simm.s32 @p0 $0x1  }
0x13: {  	[smem:$0x3FB2] =	sst s0;
	s0 =	simm.s32 @!p1 $0x0  }
0x14: {  	s2 =	sld [smem:$0x3F96];
	s0 =	simm.s32 @p1 $0x1  }
0x15: {  	[smem:$0x3FB3] =	sst s0;
	s0 =	simm.s32 @!p2 $0x0  }
0x16: {  	s3 =	sld [smem:$0x3FDB];
	s0 =	simm.s32 @p2 $0x1  }
0x17: {  	s4 =	simm.s32 $0x1BF5;
	[smem:$0x3FB5] =	sst s0  }
0x18: {  	s0 =	sld [smem:$0x3F98];
	_ =	swait.ge [sflag:s4], $0x0  }
0x19: {  	s7 =	sld [smem:$0x3F99]  }
0x1a: {  	s8 =	sadd.s32 $0xFFFFE003, lr  }
0x1b: {  	s9 =	sadd.s32 $0xFFFFFEF7, lr;
	s5 =	simm.s32 $0xFFFFFFFF;
	p2 =	slt.u32 s8, $0xFFFFF086  }
0x1c: {  	p1 =	slt.u32 s9, $0xF7A;
	s5 =	simm.s32 @!p2 $0x0  }
0x1d: {  	s5 =	simm.s32 @p1 $0x1;
	p0 =	seq.s32 s7, s2  }
0x1e: {  	s7 =	smul.u32 @!p0 $0xF7A, s2;
	p2 =	seq.s32 @!p0 s5, $0x0  }
0x1f: {  	s9 =	smul.u32 $0xF7A, s1;
	s8 =	simm.s32 @!p0 $0x1BF5;
	p2 =	por !p2, p0  }
0x20: {  	[sflag:s8] =	ssyncset.s32 @!p0 $0xFFFFF086;
	s6 =	sadd.s32 @!p0 s3, s7;
	s7 =	simm.s32 @!p0 $0x108  }
0x21: {  	s3 =	sadd.s32 s3, s9;
	s6 =	sadd.s32 @!p0 $0x88, s6;
	s7 =	simm.s32 @p2 $0x1082  }
0x22: {  	[simem:s7], [sflag:s8] =	dma.local @!p0 [hbm:s6], $0xF7A  }
0x23: {  	s9 =	sor.u32 $0xD0000000, s2;
	s6 =	simm.s32 $0x108;
	_ =	swait.ge @!p0 [sflag:s8], $0x0  }
0x24: {  	s3 =	sadd.s32 $0x88, s3;
	s6 =	simm.s32 @!p1 $0x1082;
	[sflag:s4] =	ssyncset.s32 $0xFFFFF086  }
0x25: {  	[simem:s6], [sflag:s4] =	dma.local [hbm:s3], $0xF7A  }
0x26: {  	[smem:$0x3F99] =	sst s1;
	(tag) =	ssettag s2;
	_ =	strace s9  }
0x27: {  	s1 =	sld [smem:$0x3FA9]  }
0x28: {  	s2 =	sld [smem:$0x3FAA]  }
0x29: {  	s4 =	sld [smem:$0x3FAC]  }
0x2a: {  	p0 =	seq.s32 s5, $0x0;
	s5 =	sld [smem:$0x3FAD]  }
0x2b: {  	s6 =	sld [smem:$0x3FAE]  }
0x2c: {  	s7 =	sld [smem:$0x3FAF]  }
0x2d: {  	s3 =	simm.s32 $0x108;
	s8 =	sld [smem:$0x3FB0]  }
0x2e: {  	s3 =	simm.s32 @!p0 $0x1082;
	s9 =	sld [smem:$0x3FB1]  }
0x2f: {  	lr =	sadd.s32 s0, s3;
	s0 =	sld [smem:$0x3FA8]  }
0x30: {  	s3 =	sld [smem:$0x3FAB]  }
0x31: {  	[smem:$0x3FB4] =	sst s10  }
0x32: {  	s10 =	sld [smem:$0x3FB2];
	_ =	sdelay $0x3  }
0x33: {  	p0 =	seq.s32 s10, $0x1;
	s10 =	sld [smem:$0x3FB4];
	_ =	sdelay $0x3  }
0x34: {  	[smem:$0x3FB4] =	sst s10  }
0x35: {  	s10 =	sld [smem:$0x3FB3];
	_ =	sdelay $0x3  }
0x36: {  	p1 =	seq.s32 s10, $0x1;
	s10 =	sld [smem:$0x3FB4];
	_ =	sdelay $0x3  }
0x37: {  	[smem:$0x3FB4] =	sst s10  }
0x38: {  	s10 =	sld [smem:$0x3FB5]  }
0x39: {  	_ = 	snop;
	(pc) =	sbr.ind lr, $3  }
0x3a: {  	_ = 	snop  }
0x3b: {  	_ = 	snop  }
0x3c: {  	p2 =	seq.s32 s10, $0x1;
	s10 =	sld [smem:$0x3FB4]  }
0x3d: {  	_ =	shalt  }
0x3e: {  	_ =	shalt  }
0x3f: {  	_ =	shalt  }
0x40: {  	_ =	shalt  }
0x41: {  	_ =	shalt  }
0x42: {  	_ =	shalt  }
0x43: {  	_ =	shalt  }
0x44: {  	_ =	shalt  }
0x45: {  	_ =	shalt  }
0x46: {  	_ =	shalt  }
0x47: {  	_ =	shalt  }
0x48: {  	_ =	shalt  }
0x49: {  	_ =	shalt  }
0x4a: {  	_ =	shalt  }
0x4b: {  	_ =	shalt  }
0x4c: {  	_ =	shalt  }
0x4d: {  	_ =	shalt  }
0x4e: {  	_ =	shalt  }
0x4f: {  	_ =	shalt  }
0x50: {  	_ =	shalt  }
0x51: {  	_ =	shalt  }
0x52: {  	_ =	shalt  }
0x53: {  	_ =	shalt  }
0x54: {  	_ =	shalt  }
0x55: {  	_ =	shalt  }
0x56: {  	_ =	shalt  }
0x57: {  	_ =	shalt  }
0x58: {  	_ =	shalt  }
0x59: {  	_ =	shalt  }
0x5a: {  	_ =	shalt  }
0x5b: {  	_ =	shalt  }
0x5c: {  	_ =	shalt  }
0x5d: {  	_ =	shalt  }
0x5e: {  	_ =	shalt  }
0x5f: {  	_ =	shalt  }
0x60: {  	_ =	shalt  }
0x61: {  	_ =	shalt  }
0x62: {  	_ =	shalt  }
0x63: {  	_ =	shalt  }
0x64: {  	_ =	shalt  }
0x65: {  	_ =	shalt  }
0x66: {  	_ =	shalt  }
0x67: {  	_ =	shalt  }
0x68: {  	_ =	shalt  }
0x69: {  	_ =	shalt  }
0x6a: {  	_ =	shalt  }
0x6b: {  	_ =	shalt  }
0x6c: {  	_ =	shalt  }
0x6d: {  	_ =	shalt  }
0x6e: {  	_ =	shalt  }
0x6f: {  	_ =	shalt  }
0x70: {  	_ =	shalt  }
0x71: {  	_ =	shalt  }
0x72: {  	_ =	shalt  }
0x73: {  	_ =	shalt  }
0x74: {  	_ =	shalt  }
0x75: {  	_ =	shalt  }
0x76: {  	_ =	shalt  }
0x77: {  	_ =	shalt  }
0x78: {  	_ =	shalt  }
0x79: {  	_ =	shalt  }
0x7a: {  	_ =	shalt  }
0x7b: {  	_ =	shalt  }
0x7c: {  	_ =	shalt  }
0x7d: {  	_ =	shalt  }
0x7e: {  	_ =	shalt  }
0x7f: {  	_ =	shalt  }
0x80: {  	_ =	shalt  }
0x81: {  	_ =	shalt  }
0x82: {  	_ =	shalt  }
0x83: {  	_ =	shalt  }
0x84: {  	_ =	shalt  }
0x85: {  	_ =	shalt  }
0x86: {  	_ =	shalt  }
0x87: {  	_ =	shalt  }
.Lfunc_end0:
.L_simem_size_0:
called_computation_lowered:
.L_overlay_start_0:
0x88: {  	s2 =	sld [smem:$0x3FD9]  }
0x89: {  	s3 =	sld [smem:$0x3FFE];
	_ =	sdelay $0x1  }
0x8a: {  	s1 =	srdreg.scid  }
0x8b: {  	s0 =	sand.u32 $0x1, s1  }
0x8c: {  	s16 =	sshll.u32 s0, $0xA;
	s2 =	sadd.s32 s3, s2  }
0x8d: {  	s2 =	sadd.s32 s2, s16  }
0x8e: {  	[smem:$0x3FC0] =	sst s2  }
0x8f: {  	_ = 	snop  }
0x90: {  	(tm) =	ssettm $0x1  }
0x91: {  	s17 =	sld [smem:$0x3FFB];
	_ =	sdelay $0x3  }
0x92: {  	_ =	strace s17  }
0x93: {  	s2 =	sld [smem:$0x3FFC];
	_ =	sdelay $0x3  }
0x94: {  	_ =	strace s2  }
0x95: {  	s2 =	sld [smem:$0x3FFD];
	_ =	sdelay $0x3  }
0x96: {  	_ =	strace s2  }
0x97: {  	_ =	strace $0x8FFFFFFF  }
0x98: {  	s18 =	sld [smem:$0x3FDB];
	_ =	sdelay $0x1  }
0x99: {  	s19 =	simm.s32 $_scs_section_size  }
0x9a: {  	s4 =	simm.s32 $_size__tile_overlayer_lowered;
	s5 =	simm.s32 $_tile_overlayer_lowered  }
0x9b: {  	s22 =	simm.s32 $0x1BFF;
	s21 =	sshll.u32 s5, $0x1;
	s2 =	sadd.s32 s19, s18  }
0x9c: {  	s6 =	simm.s32 $0x0;
	s20 =	sshll.u32 s4, $0x1;
	s4 =	sadd.s32 s21, s2  }
0x9d: {  	[timem:s6], [sflag:s22] =	dma.local [hbm:s4], s20  }
0x9e: {  	_ =	swait.ge [sflag:s22], s20  }
0x9f: {  	s3 =	ssub.s32 $0x0, s20;
	[sflag:s22] =	ssyncset.done $0x0  }
0xa0: {  	[sflag:s22] =	ssyncadd.s32 s3;
	_ =	sdelay $0x1  }
0xa1: {  	s23 =	simm.s32 $0x1B8B  }
0xa2: {  	_ =	swait.ge [sflag:s23], $0x1  }
0xa3: {  	[sflag:s23] =	ssyncset.done $0x0  }
0xa4: {  	s25 =	simm.s32 $0x1B8E;
	s24 =	sld [smem:$0x3FFE];
	[sflag:s23] =	ssyncadd.s32 $0xFFFFFFFF  }
0xa5: {  	s26 =	simm.s32 $execute0_lowered;
	[smem:$0x3FD2] =	sst s25  }
0xa6: {  	s4 =	sshll.u32 s26, $0x1;
	_ =	strace $0x80000046;
	[dreg:$0x1] =	wrdreg $0xFFFFFFFF  }
0xa7: {  	s28 =	simm.s32 $_size_execute0_lowered;
	s2 =	sadd.s32 s2, s4;
	[dreg:$0x0] =	wrdreg $0x0  }
0xa8: {  	s4 =	sshll.u32 s28, $0x1;
	[dreg:$0x2] =	wrdreg s2  }
0xa9: {  	[dreg:$0x3] =	wrdreg s4  }
0xaa: {  	[dreg:$0x4] =	wrdreg $0xC0  }
0xab: {  	_ =	task [dreg:s6], $0x5FFFF  }
0xac: {  	[dreg:$0x1] =	wrdreg $0xFFFFFFFF  }
0xad: {  	[dreg:$0x0] =	wrdreg $0x60  }
0xae: {  	[dreg:$0x2] =	wrdreg s24  }
0xaf: {  	[dreg:$0x3] =	wrdreg $0x9  }
0xb0: {  	_ =	task.clear_ibuf [dreg:s6], $0x4FFFF;
	_ =	strace $0x90000046  }
0xb1: {  	s29 =	simm.s32 $0x9;
	_ =	strace $0x80000048  }
0xb2: {  	_ =	swait.ge [sflag:s29], $0x1  }
0xb3: {  	[sflag:s29] =	ssyncadd.s32 $0xFFFFFFFF  }
0xb4: {  	_ =	strace $0x90000048  }
0xb5: {  	_ =	sfence  }
0xb6: {  	s30 =	sld [smem:$0x0];
	_ =	sdelay $0x2  }
0xb7: {  	s31 =	sshll.u32 s1, $0xD;
	s1 =	sshrl.u32 s1, $0x2  }
0xb8: {  	s3 =	sand.u32 $0x4000, s31;
	s1 =	sadd.s32 s1, s30  }
0xb9: {  	s0 =	sor.u32 s3, s0;
	s1 =	sshll.u32 s1, $0x11  }
0xba: {  	s0 =	sor.u32 s1, s0  }
0xbb: {  	s0 =	sadd.s32 $0x8F2B, s0  }
0xbc: {  	[sflag:s0] =	ssyncadd.remote.s32 $0x1  }
0xbd: {  	_ =	sfence.sel $0xFFFF  }
0xbe: {  	[dreg:$0x0] =	wrdreg $0xFFFFFFFF;
	(pc) =	sbr.abs _section_cstart, $3  }
0xbf: {  	[dreg:$0x1] =	wrdreg $0xFFFFFFFF  }
0xc0: {  	_ =	task.clear_ibuf [dreg:s6], $0x2FFFF;
	_ =	strace $0x9FFFFFFF  }
0xc1: {  	(tm) =	ssettm $0x7FFFFFFF  }
tec
execute0_lowered:
.L_overlay_start_1:
0x0: {  	(tag) =	ssettag $0x1  }
0x1: {  	s0 =	rddreg [dreg:$0x0];
	s1 =	srdreg.scid;
	s2 =	simm.s32 $0x0  }
0x2: {  	s3 =	stileid.u32;
	s10 =	simm.s32 $0x80;
	s11 =	simm.s32 $0x400  }
0x3: {  	s14 =	simm.s32 $0x1;
	s9 =	simm.s32 $0x16200;
	s12 =	simm.s32 $0x17200  }
0x4: {  	s13 =	simm.s32 $0x17A00;
	s15 =	simm.s32 $0x18200;
	s16 =	simm.s32 $0x18A00  }
0x5: {  	s17 =	simm.s32 $0x2;
	s18 =	simm.s32 $0x19200;
	s19 =	simm.s32 $0x3  }
0x6: {  	s20 =	simm.s32 $0x19300;
	s22 =	simm.s32 $0x0;
	s1 =	sand.u32 $0x1, s1  }
0x7: {  	[smem:$0x7FF] =	sst s2;
	s3 =	sshll.u32 s3, $0xA;
	s4 =	sshll.u32 s1, $0x9  }
0x8: {  	s5 =	sadd.s32 $0x4E4400, s0;
	s1 =	ssub.s32 $0x2, s1;
	s3 =	sor.u32 s4, s3  }
0x9: {  	s4 =	sadd.s32 $0x464400, s0;
	s8 =	sshrl.u32 s1, $0x1;
	s6 =	sshll.u32 s3, $0x5  }
0xa: {  	s7 =	sadd.s32 $0x1600, s0;
	s30 =	ssub.s32 s1, s8;
	s6 =	sadd.s32 s4, s6  }
0xb: {  	v2 =	vlaneseq.u32;
	_ =	strace $0x80000047;
	s0 =	smax.u32 s30, $0x1;
	[dreg:$0x2] =	wrdreg s6  }
0xc: {  	vm0 =	vmmov $0xffff;
	v1 =	vshrl.u32 v2, $0x3;
	s1 =	simm.s32 $0x15200;
	s31 =	sadd.s32 $0x10, s6;
	[dreg:$0x4] =	wrdreg s0  }
0xd: {  	v0 =	vand.u32 $0x7, v2;
	v2 =	vor.u32 $0x8, v2;
	v1 =	vmul.u32 $0x8, v1;
	s8 =	simm.s32 $0x15A00;
	s6 =	simm.s32 $0x16A00;
	[dreg:$0x3] =	wrdreg s31  }
.LBB2_1:
0xe: {  	[dreg:$0x5] =	wrdreg s22  }
0xf: {  	s0 =	rddreg [dreg:$0x2];
	s24 =	simm.s32 $0x6  }
0x10: {  	[tilespmem:s2], [sflag:$0x6] =	stream.strided.gather [hbm4b:s0+s10], $0x100, s11, s10, $0x38;
	[tilespmem:$0x19400] =	vst v63  }
0x11: {  	_ =	swait.ge [sflag:s24], $0x100  }
0x12: {  	[sflag:s24] =	ssyncset.done $0x0  }
0x13: {  	[sflag:s24] =	ssyncadd.s32 $0xFFFFFF00  }
0x14: {  	v3 =	vld [tilespmem:$0x0];
	_ =	sdelay $0x4  }
0x15: {  	v4 =	vshll.u32 v3, $0x1  }
0x16: {  	v3 =	vand.u32 $0x7, v3;
	v4 =	vand.u32 $0xFFFFFFF0, v4  }
0x17: {  	v3 =	vor.u32 v3, v4  }
0x18: {  	v4 =	vperm.xlane v3, v0;
	_ =	sdelay $0x1  }
0x19: {  	v3 =	vperm.xlane v3, v2;
	v4 =	vadd.s32 v1, v4;
	_ =	sdelay $0x1  }
0x1a: {  	v3 =	vadd.s32 v1, v3;
	_ =	sdelay $0x1  }
0x1b: {  	s25 =	simm.s32 $0x200  }
0x1c: {  	[tilespmem:s25], [sflag:$0x2] =	stream.indirect_vreg.gather [hbm4b:s5+s2], $0x80, v4, vm0, $0xb8;
	[tilespmem:$0x19400] =	vst v63  }
0x1d: {  	s26 =	simm.s32 $0xA00  }
0x1e: {  	[tilespmem:s26], [sflag:$0x2] =	stream.indirect_vreg.gather [hbm4b:s5+s2], $0x80, v3, vm0, $0xb8;
	[tilespmem:$0x19400] =	vst v63  }
0x1f: {  	v3 =	vld [tilespmem:$0x10];
	_ =	sdelay $0x4  }
0x20: {  	v52 =	vshll.u32 v3, $0x1  }
0x21: {  	v3 =	vand.u32 $0x7, v3;
	v4 =	vand.u32 $0xFFFFFFF0, v52  }
0x22: {  	v3 =	vor.u32 v3, v4  }
0x23: {  	v4 =	vperm.xlane v3, v0;
	_ =	sdelay $0x1  }
0x24: {  	v3 =	vperm.xlane v3, v2;
	v4 =	vadd.s32 v1, v4;
	_ =	sdelay $0x1  }
0x25: {  	v3 =	vadd.s32 v1, v3;
	_ =	sdelay $0x1  }
0x26: {  	s28 =	simm.s32 $0x1200  }
0x27: {  	[tilespmem:s28], [sflag:$0x2] =	stream.indirect_vreg.gather [hbm4b:s5+s2], $0x80, v4, vm0, $0xb8;
	[tilespmem:$0x19400] =	vst v63  }
0x28: {  	s29 =	simm.s32 $0x1A00  }
0x29: {  	[tilespmem:s29], [sflag:$0x2] =	stream.indirect_vreg.gather [hbm4b:s5+s2], $0x80, v3, vm0, $0xb8;
	[tilespmem:$0x19400] =	vst v63  }
0x2a: {  	v3 =	vld [tilespmem:$0x20];
	_ =	sdelay $0x4  }
0x2b: {  	v53 =	vshll.u32 v3, $0x1  }
0x2c: {  	v3 =	vand.u32 $0x7, v3;
	v4 =	vand.u32 $0xFFFFFFF0, v53  }
0x2d: {  	v3 =	vor.u32 v3, v4  }
0x2e: {  	v4 =	vperm.xlane v3, v0;
	_ =	sdelay $0x1  }
0x2f: {  	v3 =	vperm.xlane v3, v2;
	v4 =	vadd.s32 v1, v4;
	_ =	sdelay $0x1  }
0x30: {  	v3 =	vadd.s32 v1, v3;
	_ =	sdelay $0x1  }
0x31: {  	s30 =	simm.s32 $0x2200  }
0x32: {  	[tilespmem:s30], [sflag:$0x2] =	stream.indirect_vreg.gather [hbm4b:s5+s2], $0x80, v4, vm0, $0xb8;
	[tilespmem:$0x19400] =	vst v63  }
0x33: {  	s31 =	simm.s32 $0x2A00  }
0x34: {  	[tilespmem:s31], [sflag:$0x2] =	stream.indirect_vreg.gather [hbm4b:s5+s2], $0x80, v3, vm0, $0xb8;
	[tilespmem:$0x19400] =	vst v63  }
0x35: {  	v3 =	vld [tilespmem:$0x30];
	_ =	sdelay $0x4  }
0x36: {  	v54 =	vshll.u32 v3, $0x1  }
0x37: {  	v3 =	vand.u32 $0x7, v3;
	v4 =	vand.u32 $0xFFFFFFF0, v54  }
0x38: {  	v3 =	vor.u32 v3, v4  }
0x39: {  	v4 =	vperm.xlane v3, v0;
	_ =	sdelay $0x1  }
0x3a: {  	v3 =	vperm.xlane v3, v2;
	v4 =	vadd.s32 v1, v4;
	_ =	sdelay $0x1  }
0x3b: {  	v3 =	vadd.s32 v1, v3;
	_ =	sdelay $0x1  }
0x3c: {  	s21 =	simm.s32 $0x3200  }
0x3d: {  	[tilespmem:s21], [sflag:$0x2] =	stream.indirect_vreg.gather [hbm4b:s5+s2], $0x80, v4, vm0, $0xb8;
	[tilespmem:$0x19400] =	vst v63  }
0x3e: {  	s22 =	simm.s32 $0x3A00  }
0x3f: {  	[tilespmem:s22], [sflag:$0x2] =	stream.indirect_vreg.gather [hbm4b:s5+s2], $0x80, v3, vm0, $0xb8;
	[tilespmem:$0x19400] =	vst v63  }
0x40: {  	v3 =	vld [tilespmem:$0x40];
	_ =	sdelay $0x4  }
0x41: {  	v55 =	vshll.u32 v3, $0x1  }
0x42: {  	v3 =	vand.u32 $0x7, v3;
	v4 =	vand.u32 $0xFFFFFFF0, v55  }
0x43: {  	v3 =	vor.u32 v3, v4  }
0x44: {  	v4 =	vperm.xlane v3, v0;
	_ =	sdelay $0x1  }
0x45: {  	v3 =	vperm.xlane v3, v2;
	v4 =	vadd.s32 v1, v4;
	_ =	sdelay $0x1  }
0x46: {  	v3 =	vadd.s32 v1, v3;
	_ =	sdelay $0x1  }
0x47: {  	s23 =	simm.s32 $0x4200  }
0x48: {  	[tilespmem:s23], [sflag:$0x2] =	stream.indirect_vreg.gather [hbm4b:s5+s2], $0x80, v4, vm0, $0xb8;
	[tilespmem:$0x19400] =	vst v63  }
0x49: {  	s24 =	simm.s32 $0x4A00  }
0x4a: {  	[tilespmem:s24], [sflag:$0x2] =	stream.indirect_vreg.gather [hbm4b:s5+s2], $0x80, v3, vm0, $0xb8;
	[tilespmem:$0x19400] =	vst v63  }
0x4b: {  	v3 =	vld [tilespmem:$0x50];
	_ =	sdelay $0x4  }
0x4c: {  	v56 =	vshll.u32 v3, $0x1  }
0x4d: {  	v3 =	vand.u32 $0x7, v3;
	v4 =	vand.u32 $0xFFFFFFF0, v56  }
0x4e: {  	v3 =	vor.u32 v3, v4  }
0x4f: {  	v4 =	vperm.xlane v3, v0;
	_ =	sdelay $0x1  }
0x50: {  	v3 =	vperm.xlane v3, v2;
	v4 =	vadd.s32 v1, v4;
	_ =	sdelay $0x1  }
0x51: {  	v3 =	vadd.s32 v1, v3;
	_ =	sdelay $0x1  }
0x52: {  	s25 =	simm.s32 $0x5200  }
0x53: {  	[tilespmem:s25], [sflag:$0x2] =	stream.indirect_vreg.gather [hbm4b:s5+s2], $0x80, v4, vm0, $0xb8;
	[tilespmem:$0x19400] =	vst v63  }
0x54: {  	s26 =	simm.s32 $0x5A00  }
0x55: {  	[tilespmem:s26], [sflag:$0x2] =	stream.indirect_vreg.gather [hbm4b:s5+s2], $0x80, v3, vm0, $0xb8;
	[tilespmem:$0x19400] =	vst v63  }
0x56: {  	v3 =	vld.msk [tilespmem:$0x60], $0xff;
	_ =	sdelay $0x4  }
0x57: {  	v57 =	vshll.u32 v3, $0x1  }
0x58: {  	v3 =	vand.u32 $0x7, v3;
	v4 =	vand.u32 $0xFFFFFFF0, v57  }
0x59: {  	v3 =	vor.u32 v3, v4  }
0x5a: {  	v3 =	vperm.xlane v3, v0;
	_ =	sdelay $0x1  }
0x5b: {  	v3 =	vadd.s32 v1, v3;
	_ =	sdelay $0x3  }
0x5c: {  	s28 =	simm.s32 $0x6200  }
0x5d: {  	[tilespmem:s28], [sflag:$0x2] =	stream.indirect_vreg.gather [hbm4b:s5+s2], $0x80, v3, vm0, $0xb8;
	[tilespmem:$0x19400] =	vst v63  }
0x5e: {  	v3 =	vld [tilespmem:$0x68];
	_ =	sdelay $0x4  }
0x5f: {  	v58 =	vshll.u32 v3, $0x1  }
0x60: {  	v3 =	vand.u32 $0x7, v3;
	v4 =	vand.u32 $0xFFFFFFF0, v58  }
0x61: {  	v3 =	vor.u32 v3, v4  }
0x62: {  	v4 =	vperm.xlane v3, v0;
	_ =	sdelay $0x1  }
0x63: {  	v3 =	vperm.xlane v3, v2;
	v4 =	vadd.s32 v1, v4;
	_ =	sdelay $0x1  }
0x64: {  	v3 =	vadd.s32 v1, v3;
	_ =	sdelay $0x1  }
0x65: {  	s29 =	simm.s32 $0x6A00  }
0x66: {  	[tilespmem:s29], [sflag:$0x2] =	stream.indirect_vreg.gather [hbm4b:s5+s2], $0x80, v4, vm0, $0xb8;
	[tilespmem:$0x19400] =	vst v63  }
0x67: {  	s30 =	simm.s32 $0x7200  }
0x68: {  	[tilespmem:s30], [sflag:$0x2] =	stream.indirect_vreg.gather [hbm4b:s5+s2], $0x80, v3, vm0, $0xb8;
	[tilespmem:$0x19400] =	vst v63  }
0x69: {  	v3 =	vld [tilespmem:$0x78];
	_ =	sdelay $0x4  }
0x6a: {  	v59 =	vshll.u32 v3, $0x1  }
0x6b: {  	v3 =	vand.u32 $0x7, v3;
	v4 =	vand.u32 $0xFFFFFFF0, v59  }
0x6c: {  	v3 =	vor.u32 v3, v4  }
0x6d: {  	v4 =	vperm.xlane v3, v0;
	_ =	sdelay $0x1  }
0x6e: {  	v3 =	vperm.xlane v3, v2;
	v4 =	vadd.s32 v1, v4;
	_ =	sdelay $0x1  }
0x6f: {  	v3 =	vadd.s32 v1, v3;
	_ =	sdelay $0x1  }
0x70: {  	s31 =	simm.s32 $0x7A00  }
0x71: {  	[tilespmem:s31], [sflag:$0x2] =	stream.indirect_vreg.gather [hbm4b:s5+s2], $0x80, v4, vm0, $0xb8;
	[tilespmem:$0x19400] =	vst v63  }
0x72: {  	s21 =	simm.s32 $0x8200  }
0x73: {  	[tilespmem:s21], [sflag:$0x2] =	stream.indirect_vreg.gather [hbm4b:s5+s2], $0x80, v3, vm0, $0xb8;
	[tilespmem:$0x19400] =	vst v63  }
0x74: {  	v3 =	vld [tilespmem:$0x88];
	_ =	sdelay $0x4  }
0x75: {  	v60 =	vshll.u32 v3, $0x1  }
0x76: {  	v3 =	vand.u32 $0x7, v3;
	v4 =	vand.u32 $0xFFFFFFF0, v60  }
0x77: {  	v3 =	vor.u32 v3, v4  }
0x78: {  	v4 =	vperm.xlane v3, v0;
	_ =	sdelay $0x1  }
0x79: {  	v3 =	vperm.xlane v3, v2;
	v4 =	vadd.s32 v1, v4;
	_ =	sdelay $0x1  }
0x7a: {  	v3 =	vadd.s32 v1, v3;
	_ =	sdelay $0x1  }
0x7b: {  	s22 =	simm.s32 $0x8A00  }
0x7c: {  	[tilespmem:s22], [sflag:$0x2] =	stream.indirect_vreg.gather [hbm4b:s5+s2], $0x80, v4, vm0, $0xb8;
	[tilespmem:$0x19400] =	vst v63  }
0x7d: {  	s23 =	simm.s32 $0x9200  }
0x7e: {  	[tilespmem:s23], [sflag:$0x2] =	stream.indirect_vreg.gather [hbm4b:s5+s2], $0x80, v3, vm0, $0xb8;
	[tilespmem:$0x19400] =	vst v63  }
0x7f: {  	v3 =	vld [tilespmem:$0x98];
	_ =	sdelay $0x4  }
0x80: {  	v61 =	vshll.u32 v3, $0x1  }
0x81: {  	v3 =	vand.u32 $0x7, v3;
	v4 =	vand.u32 $0xFFFFFFF0, v61  }
0x82: {  	v3 =	vor.u32 v3, v4  }
0x83: {  	v4 =	vperm.xlane v3, v0;
	_ =	sdelay $0x1  }
0x84: {  	v3 =	vperm.xlane v3, v2;
	v4 =	vadd.s32 v1, v4;
	_ =	sdelay $0x1  }
0x85: {  	v3 =	vadd.s32 v1, v3;
	_ =	sdelay $0x1  }
0x86: {  	s24 =	simm.s32 $0x9A00  }
0x87: {  	[tilespmem:s24], [sflag:$0x2] =	stream.indirect_vreg.gather [hbm4b:s5+s2], $0x80, v4, vm0, $0xb8;
	[tilespmem:$0x19400] =	vst v63  }
0x88: {  	s25 =	simm.s32 $0xA200  }
0x89: {  	[tilespmem:s25], [sflag:$0x2] =	stream.indirect_vreg.gather [hbm4b:s5+s2], $0x80, v3, vm0, $0xb8;
	[tilespmem:$0x19400] =	vst v63  }
0x8a: {  	v3 =	vld [tilespmem:$0xA8];
	_ =	sdelay $0x4  }
0x8b: {  	v62 =	vshll.u32 v3, $0x1  }
0x8c: {  	v3 =	vand.u32 $0x7, v3;
	v4 =	vand.u32 $0xFFFFFFF0, v62  }
0x8d: {  	v3 =	vor.u32 v3, v4  }
0x8e: {  	v4 =	vperm.xlane v3, v0;
	_ =	sdelay $0x1  }
0x8f: {  	v3 =	vperm.xlane v3, v2;
	v4 =	vadd.s32 v1, v4;
	_ =	sdelay $0x1  }
0x90: {  	v3 =	vadd.s32 v1, v3;
	_ =	sdelay $0x1  }
0x91: {  	s26 =	simm.s32 $0xAA00  }
0x92: {  	[tilespmem:s26], [sflag:$0x2] =	stream.indirect_vreg.gather [hbm4b:s5+s2], $0x80, v4, vm0, $0xb8;
	[tilespmem:$0x19400] =	vst v63  }
0x93: {  	s28 =	simm.s32 $0xB200  }
0x94: {  	[tilespmem:s28], [sflag:$0x2] =	stream.indirect_vreg.gather [hbm4b:s5+s2], $0x80, v3, vm0, $0xb8;
	[tilespmem:$0x19400] =	vst v63  }
0x95: {  	v3 =	vld [tilespmem:$0xB8];
	_ =	sdelay $0x4  }
0x96: {  	v63 =	vshll.u32 v3, $0x1  }
0x97: {  	v3 =	vand.u32 $0x7, v3;
	v4 =	vand.u32 $0xFFFFFFF0, v63  }
0x98: {  	v3 =	vor.u32 v3, v4  }
0x99: {  	v4 =	vperm.xlane v3, v0;
	_ =	sdelay $0x1  }
0x9a: {  	v3 =	vperm.xlane v3, v2;
	v4 =	vadd.s32 v1, v4;
	_ =	sdelay $0x1  }
0x9b: {  	v3 =	vadd.s32 v1, v3;
	_ =	sdelay $0x1  }
0x9c: {  	s29 =	simm.s32 $0xBA00  }
0x9d: {  	[tilespmem:s29], [sflag:$0x2] =	stream.indirect_vreg.gather [hbm4b:s5+s2], $0x80, v4, vm0, $0xb8;
	[tilespmem:$0x19400] =	vst v63  }
0x9e: {  	s30 =	simm.s32 $0xC200  }
0x9f: {  	[tilespmem:s30], [sflag:$0x2] =	stream.indirect_vreg.gather [hbm4b:s5+s2], $0x80, v3, vm0, $0xb8;
	[tilespmem:$0x19400] =	vst v63  }
0xa0: {  	s31 =	rddreg [dreg:$0x3];
	s21 =	simm.s32 $0x100  }
0xa1: {  	[tilespmem:s21], [sflag:$0x1] =	stream.strided.gather [hbm4b:s31+s10], $0x100, s11, s10, $0x38;
	[tilespmem:$0x19400] =	vst v63  }
0xa2: {  	s21 =	simm.s32 $0x0  }
.LBB2_2:
0xa3: {  	_ =	swait.ge [sflag:s14], $0x100  }
0xa4: {  	[sflag:s14] =	ssyncset.done $0x0  }
0xa5: {  	[sflag:s14] =	ssyncadd.s32 $0xFFFFFF00  }
0xa6: {  	v3 =	vld [tilespmem:$0x100];
	_ =	sdelay $0x4  }
0xa7: {  	v4 =	vshll.u32 v3, $0x1  }
0xa8: {  	v3 =	vand.u32 $0x7, v3;
	v4 =	vand.u32 $0xFFFFFFF0, v4  }
0xa9: {  	v3 =	vor.u32 v3, v4  }
0xaa: {  	v4 =	vperm.xlane v3, v0;
	_ =	sdelay $0x1  }
0xab: {  	v3 =	vperm.xlane v3, v2;
	v4 =	vadd.s32 v1, v4;
	_ =	sdelay $0x1  }
0xac: {  	v3 =	vadd.s32 v1, v3;
	_ =	sdelay $0x1  }
0xad: {  	s0 =	simm.s32 $0xCA00  }
0xae: {  	[tilespmem:s0], [sflag:$0x3] =	stream.indirect_vreg.gather [hbm4b:s5+s2], $0x80, v4, vm0, $0xb8;
	[tilespmem:$0x19400] =	vst v63  }
0xaf: {  	s25 =	simm.s32 $0xD200  }
0xb0: {  	[tilespmem:s25], [sflag:$0x3] =	stream.indirect_vreg.gather [hbm4b:s5+s2], $0x80, v3, vm0, $0xb8;
	[tilespmem:$0x19400] =	vst v63  }
0xb1: {  	v3 =	vld [tilespmem:$0x110];
	_ =	sdelay $0x4  }
0xb2: {  	v4 =	vshll.u32 v3, $0x1  }
0xb3: {  	v3 =	vand.u32 $0x7, v3;
	v4 =	vand.u32 $0xFFFFFFF0, v4  }
0xb4: {  	v3 =	vor.u32 v3, v4  }
0xb5: {  	v4 =	vperm.xlane v3, v0;
	_ =	sdelay $0x1  }
0xb6: {  	v3 =	vperm.xlane v3, v2;
	v4 =	vadd.s32 v1, v4;
	_ =	sdelay $0x1  }
0xb7: {  	v3 =	vadd.s32 v1, v3;
	_ =	sdelay $0x1  }
0xb8: {  	s26 =	simm.s32 $0xDA00  }
0xb9: {  	[tilespmem:s26], [sflag:$0x3] =	stream.indirect_vreg.gather [hbm4b:s5+s2], $0x80, v4, vm0, $0xb8;
	[tilespmem:$0x19400] =	vst v63  }
0xba: {  	s22 =	simm.s32 $0xE200  }
0xbb: {  	[tilespmem:s22], [sflag:$0x3] =	stream.indirect_vreg.gather [hbm4b:s5+s2], $0x80, v3, vm0, $0xb8;
	[tilespmem:$0x19400] =	vst v63  }
0xbc: {  	v3 =	vld [tilespmem:$0x120];
	_ =	sdelay $0x4  }
0xbd: {  	v4 =	vshll.u32 v3, $0x1  }
0xbe: {  	v3 =	vand.u32 $0x7, v3;
	v4 =	vand.u32 $0xFFFFFFF0, v4  }
0xbf: {  	v3 =	vor.u32 v3, v4  }
0xc0: {  	v4 =	vperm.xlane v3, v0;
	_ =	sdelay $0x1  }
0xc1: {  	v3 =	vperm.xlane v3, v2;
	v4 =	vadd.s32 v1, v4;
	_ =	sdelay $0x1  }
0xc2: {  	v3 =	vadd.s32 v1, v3;
	_ =	sdelay $0x1  }
0xc3: {  	s23 =	simm.s32 $0xEA00  }
0xc4: {  	[tilespmem:s23], [sflag:$0x3] =	stream.indirect_vreg.gather [hbm4b:s5+s2], $0x80, v4, vm0, $0xb8;
	[tilespmem:$0x19400] =	vst v63  }
0xc5: {  	s24 =	simm.s32 $0xF200  }
0xc6: {  	[tilespmem:s24], [sflag:$0x3] =	stream.indirect_vreg.gather [hbm4b:s5+s2], $0x80, v3, vm0, $0xb8;
	[tilespmem:$0x19400] =	vst v63  }
0xc7: {  	v3 =	vld [tilespmem:$0x130];
	_ =	sdelay $0x4  }
0xc8: {  	v4 =	vshll.u32 v3, $0x1  }
0xc9: {  	v3 =	vand.u32 $0x7, v3;
	v4 =	vand.u32 $0xFFFFFFF0, v4  }
0xca: {  	v3 =	vor.u32 v3, v4  }
0xcb: {  	v4 =	vperm.xlane v3, v0;
	_ =	sdelay $0x1  }
0xcc: {  	v3 =	vperm.xlane v3, v2;
	v4 =	vadd.s32 v1, v4;
	_ =	sdelay $0x1  }
0xcd: {  	v3 =	vadd.s32 v1, v3;
	_ =	sdelay $0x1  }
0xce: {  	s25 =	simm.s32 $0xFA00  }
0xcf: {  	[tilespmem:s25], [sflag:$0x3] =	stream.indirect_vreg.gather [hbm4b:s5+s2], $0x80, v4, vm0, $0xb8;
	[tilespmem:$0x19400] =	vst v63  }
0xd0: {  	s26 =	simm.s32 $0x10200  }
0xd1: {  	[tilespmem:s26], [sflag:$0x3] =	stream.indirect_vreg.gather [hbm4b:s5+s2], $0x80, v3, vm0, $0xb8;
	[tilespmem:$0x19400] =	vst v63  }
0xd2: {  	v3 =	vld [tilespmem:$0x140];
	_ =	sdelay $0x4  }
0xd3: {  	v4 =	vshll.u32 v3, $0x1  }
0xd4: {  	v3 =	vand.u32 $0x7, v3;
	v4 =	vand.u32 $0xFFFFFFF0, v4  }
0xd5: {  	v3 =	vor.u32 v3, v4  }
0xd6: {  	v4 =	vperm.xlane v3, v0;
	_ =	sdelay $0x1  }
0xd7: {  	v3 =	vperm.xlane v3, v2;
	v4 =	vadd.s32 v1, v4;
	_ =	sdelay $0x1  }
0xd8: {  	v3 =	vadd.s32 v1, v3;
	_ =	sdelay $0x1  }
0xd9: {  	s22 =	simm.s32 $0x10A00  }
0xda: {  	[tilespmem:s22], [sflag:$0x3] =	stream.indirect_vreg.gather [hbm4b:s5+s2], $0x80, v4, vm0, $0xb8;
	[tilespmem:$0x19400] =	vst v63  }
0xdb: {  	s23 =	simm.s32 $0x11200  }
0xdc: {  	[tilespmem:s23], [sflag:$0x3] =	stream.indirect_vreg.gather [hbm4b:s5+s2], $0x80, v3, vm0, $0xb8;
	[tilespmem:$0x19400] =	vst v63  }
0xdd: {  	v3 =	vld [tilespmem:$0x150];
	_ =	sdelay $0x4  }
0xde: {  	v4 =	vshll.u32 v3, $0x1  }
0xdf: {  	v3 =	vand.u32 $0x7, v3;
	v4 =	vand.u32 $0xFFFFFFF0, v4  }
0xe0: {  	v3 =	vor.u32 v3, v4  }
0xe1: {  	v4 =	vperm.xlane v3, v0;
	_ =	sdelay $0x1  }
0xe2: {  	v3 =	vperm.xlane v3, v2;
	v4 =	vadd.s32 v1, v4;
	_ =	sdelay $0x1  }
0xe3: {  	v3 =	vadd.s32 v1, v3;
	_ =	sdelay $0x1  }
0xe4: {  	s24 =	simm.s32 $0x11A00  }
0xe5: {  	[tilespmem:s24], [sflag:$0x3] =	stream.indirect_vreg.gather [hbm4b:s5+s2], $0x80, v4, vm0, $0xb8;
	[tilespmem:$0x19400] =	vst v63  }
0xe6: {  	s25 =	simm.s32 $0x12200  }
0xe7: {  	[tilespmem:s25], [sflag:$0x3] =	stream.indirect_vreg.gather [hbm4b:s5+s2], $0x80, v3, vm0, $0xb8;
	[tilespmem:$0x19400] =	vst v63  }
0xe8: {  	v3 =	vld.msk [tilespmem:$0x160], $0xff;
	_ =	sdelay $0x4  }
0xe9: {  	v4 =	vshll.u32 v3, $0x1  }
0xea: {  	v3 =	vand.u32 $0x7, v3;
	v4 =	vand.u32 $0xFFFFFFF0, v4  }
0xeb: {  	v3 =	vor.u32 v3, v4  }
0xec: {  	v3 =	vperm.xlane v3, v0;
	_ =	sdelay $0x1  }
0xed: {  	v3 =	vadd.s32 v1, v3;
	_ =	sdelay $0x3  }
0xee: {  	s26 =	simm.s32 $0x12A00  }
0xef: {  	[tilespmem:s26], [sflag:$0x3] =	stream.indirect_vreg.gather [hbm4b:s5+s2], $0x80, v3, vm0, $0xb8;
	[tilespmem:$0x19400] =	vst v63  }
0xf0: {  	v3 =	vld [tilespmem:$0x168];
	_ =	sdelay $0x4  }
0xf1: {  	v4 =	vshll.u32 v3, $0x1  }
0xf2: {  	v3 =	vand.u32 $0x7, v3;
	v4 =	vand.u32 $0xFFFFFFF0, v4  }
0xf3: {  	v3 =	vor.u32 v3, v4  }
0xf4: {  	v4 =	vperm.xlane v3, v0;
	_ =	sdelay $0x1  }
0xf5: {  	v3 =	vperm.xlane v3, v2;
	v4 =	vadd.s32 v1, v4;
	_ =	sdelay $0x1  }
0xf6: {  	v3 =	vadd.s32 v1, v3;
	_ =	sdelay $0x1  }
0xf7: {  	s22 =	simm.s32 $0x13200  }
0xf8: {  	[tilespmem:s22], [sflag:$0x3] =	stream.indirect_vreg.gather [hbm4b:s5+s2], $0x80, v4, vm0, $0xb8;
	[tilespmem:$0x19400] =	vst v63  }
0xf9: {  	s23 =	simm.s32 $0x13A00  }
0xfa: {  	[tilespmem:s23], [sflag:$0x3] =	stream.indirect_vreg.gather [hbm4b:s5+s2], $0x80, v3, vm0, $0xb8;
	[tilespmem:$0x19400] =	vst v63  }
0xfb: {  	v3 =	vld [tilespmem:$0x178];
	_ =	sdelay $0x4  }
0xfc: {  	v4 =	vshll.u32 v3, $0x1  }
0xfd: {  	v3 =	vand.u32 $0x7, v3;
	v4 =	vand.u32 $0xFFFFFFF0, v4  }
0xfe: {  	v3 =	vor.u32 v3, v4  }
0xff: {  	v4 =	vperm.xlane v3, v0;
	_ =	sdelay $0x1  }
0x100: {  	v3 =	vperm.xlane v3, v2;
	v4 =	vadd.s32 v1, v4;
	_ =	sdelay $0x1  }
0x101: {  	v3 =	vadd.s32 v1, v3;
	_ =	sdelay $0x1  }
0x102: {  	s24 =	simm.s32 $0x14200  }
0x103: {  	[tilespmem:s24], [sflag:$0x3] =	stream.indirect_vreg.gather [hbm4b:s5+s2], $0x80, v4, vm0, $0xb8;
	[tilespmem:$0x19400] =	vst v63  }
0x104: {  	s25 =	simm.s32 $0x14A00  }
0x105: {  	[tilespmem:s25], [sflag:$0x3] =	stream.indirect_vreg.gather [hbm4b:s5+s2], $0x80, v3, vm0, $0xb8;
	[tilespmem:$0x19400] =	vst v63  }
0x106: {  	v3 =	vld [tilespmem:$0x188];
	_ =	sdelay $0x4  }
0x107: {  	v4 =	vshll.u32 v3, $0x1  }
0x108: {  	v3 =	vand.u32 $0x7, v3;
	v4 =	vand.u32 $0xFFFFFFF0, v4  }
0x109: {  	v3 =	vor.u32 v3, v4  }
0x10a: {  	v4 =	vperm.xlane v3, v0;
	_ =	sdelay $0x1  }
0x10b: {  	v3 =	vperm.xlane v3, v2;
	v4 =	vadd.s32 v1, v4;
	_ =	sdelay $0x1  }
0x10c: {  	v3 =	vadd.s32 v1, v3;
	_ =	sdelay $0x2  }
0x10d: {  	[tilespmem:s1], [sflag:$0x3] =	stream.indirect_vreg.gather [hbm4b:s5+s2], $0x80, v4, vm0, $0xb8;
	[tilespmem:$0x19400] =	vst v63  }
0x10e: {  	_ = 	snop  }
0x10f: {  	[tilespmem:s8], [sflag:$0x3] =	stream.indirect_vreg.gather [hbm4b:s5+s2], $0x80, v3, vm0, $0xb8;
	[tilespmem:$0x19400] =	vst v63  }
0x110: {  	v3 =	vld [tilespmem:$0x198];
	_ =	sdelay $0x4  }
0x111: {  	v4 =	vshll.u32 v3, $0x1  }
0x112: {  	v3 =	vand.u32 $0x7, v3;
	v4 =	vand.u32 $0xFFFFFFF0, v4  }
0x113: {  	v3 =	vor.u32 v3, v4  }
0x114: {  	v4 =	vperm.xlane v3, v0;
	_ =	sdelay $0x1  }
0x115: {  	v3 =	vperm.xlane v3, v2;
	v4 =	vadd.s32 v1, v4;
	_ =	sdelay $0x1  }
0x116: {  	v3 =	vadd.s32 v1, v3;
	_ =	sdelay $0x2  }
0x117: {  	[tilespmem:s9], [sflag:$0x3] =	stream.indirect_vreg.gather [hbm4b:s5+s2], $0x80, v4, vm0, $0xb8;
	[tilespmem:$0x19400] =	vst v63  }
0x118: {  	_ = 	snop  }
0x119: {  	[tilespmem:s6], [sflag:$0x3] =	stream.indirect_vreg.gather [hbm4b:s5+s2], $0x80, v3, vm0, $0xb8;
	[tilespmem:$0x19400] =	vst v63  }
0x11a: {  	v3 =	vld [tilespmem:$0x1A8];
	_ =	sdelay $0x4  }
0x11b: {  	v4 =	vshll.u32 v3, $0x1  }
0x11c: {  	v3 =	vand.u32 $0x7, v3;
	v4 =	vand.u32 $0xFFFFFFF0, v4  }
0x11d: {  	v3 =	vor.u32 v3, v4  }
0x11e: {  	v4 =	vperm.xlane v3, v0;
	_ =	sdelay $0x1  }
0x11f: {  	v3 =	vperm.xlane v3, v2;
	v4 =	vadd.s32 v1, v4;
	_ =	sdelay $0x1  }
0x120: {  	v3 =	vadd.s32 v1, v3;
	_ =	sdelay $0x2  }
0x121: {  	[tilespmem:s12], [sflag:$0x3] =	stream.indirect_vreg.gather [hbm4b:s5+s2], $0x80, v4, vm0, $0xb8;
	[tilespmem:$0x19400] =	vst v63  }
0x122: {  	_ = 	snop  }
0x123: {  	[tilespmem:s13], [sflag:$0x3] =	stream.indirect_vreg.gather [hbm4b:s5+s2], $0x80, v3, vm0, $0xb8;
	[tilespmem:$0x19400] =	vst v63  }
0x124: {  	v3 =	vld [tilespmem:$0x1B8];
	_ =	sdelay $0x4  }
0x125: {  	v4 =	vshll.u32 v3, $0x1  }
0x126: {  	v3 =	vand.u32 $0x7, v3;
	v4 =	vand.u32 $0xFFFFFFF0, v4  }
0x127: {  	v3 =	vor.u32 v3, v4  }
0x128: {  	v4 =	vperm.xlane v3, v0;
	_ =	sdelay $0x1  }
0x129: {  	v3 =	vperm.xlane v3, v2;
	v4 =	vadd.s32 v1, v4;
	_ =	sdelay $0x1  }
0x12a: {  	v3 =	vadd.s32 v1, v3;
	_ =	sdelay $0x2  }
0x12b: {  	[tilespmem:s15], [sflag:$0x3] =	stream.indirect_vreg.gather [hbm4b:s5+s2], $0x80, v4, vm0, $0xb8;
	[tilespmem:$0x19400] =	vst v63  }
0x12c: {  	s23 =	sshll.u32 s21, $0x1  }
0x12d: {  	[tilespmem:s16], [sflag:$0x3] =	stream.indirect_vreg.gather [hbm4b:s5+s2], $0x80, v3, vm0, $0xb8;
	[tilespmem:$0x19400] =	vst v63  }
0x12e: {  	p0 =	seq.s32 s21, $0xFF;
	s22 =	sor.u32 s3, s23;
	_ =	swait.ge [sflag:s17], $0x6800  }
0x12f: {  	s26 =	simm.s32 @!p0 $0x0;
	s0 =	sadd.s32 @!p0 $0x2, s22;
	[sflag:s17] =	ssyncset.done $0x0  }
0x130: {  	s24 =	sshll.u32 @!p0 s0, $0x4;
	s0 =	sshll.u32 @!p0 s0, $0x5;
	[sflag:s17] =	ssyncadd.s32 $0xFFFF9800  }
0x131: {  	s24 =	sand.u32 @!p0 $0x60, s24;
	s0 =	sand.u32 @!p0 $0xFFFFF00, s0;
	_ =	swait.ge [sflag:s17], $0x6000  }
0x132: {  	s24 =	sadd.s32 @!p0 s4, s24;
	s25 =	simm.s32 @!p0 $0x400;
	[sflag:s17] =	ssyncset.done $0x0  }
0x133: {  	s0 =	sadd.s32 @!p0 s0, s24;
	s24 =	simm.s32 @!p0 $0x80;
	[sflag:s17] =	ssyncadd.s32 $0xFFFFA000  }
0x134: {  	[tilespmem:s26], [sflag:$0x1] =	stream.strided.gather @!p0 [hbm4b:s0+s24], $0x100, s25, s24, $0x38;
	[tilespmem:$0x19400] =	vst v63  }
0x135: {  	s26 =	simm.s32 $0x0  }
0x136: {  	s25 =	sand.u32 $0x7800, s26;
	s26 =	sand.u32 $0x380, s26  }
0x137: {  	s28 =	sor.u32 s26, s25  }
0x138: {  	v3 =	vld [tilespmem:s28+$0x670]  }
0x139: {  	v4 =	vld [tilespmem:s28+$0x200]  }
0x13a: {  	v6 =	vld [tilespmem:s28+$0x210]  }
0x13b: {  	v7 =	vld [tilespmem:s28+$0x220]  }
0x13c: {  	v8 =	vld [tilespmem:s28+$0x230]  }
0x13d: {  	v9 =	vld [tilespmem:s28+$0x240]  }
0x13e: {  	v10 =	vld [tilespmem:s28+$0x250]  }
0x13f: {  	v12 =	vld [tilespmem:s28+$0x260]  }
0x140: {  	v13 =	vimm.f32 $0.0e+00;
	v14 =	vld [tilespmem:s28+$0x270]  }
0x141: {  	v15 =	vld [tilespmem:s28+$0x600];
	v5 =	vadd.f32 v3, v13  }
0x142: {  	v20 =	vld [tilespmem:s28+$0x610];
	v11 =	vadd.f32 v4, v13;
	v6 =	vadd.f32 v6, v13  }
0x143: {  	v18 =	vimm.f32 $0.0e+00;
	v21 =	vld [tilespmem:s28+$0x620];
	v7 =	vadd.f32 v7, v13;
	v3 =	vadd.f32 v8, v13  }
0x144: {  	v16 =	vimm.f32 $0.0e+00;
	v19 =	vld [tilespmem:s28+$0x630];
	v8 =	vadd.f32 v9, v13;
	v4 =	vadd.f32 v10, v13  }
0x145: {  	s29 =	simm.s32 $0x80;
	v17 =	vimm.f32 $0.0e+00;
	s24 =	simm.s32 $0x100;
	v22 =	vld [tilespmem:s28+$0x640];
	v9 =	vadd.f32 v12, v13;
	v10 =	vadd.f32 v14, v13  }
0x146: {  	s30 =	simm.s32 $0x200;
	s0 =	sand.u32 $0x380, s29;
	s31 =	sand.u32 $0x7800, s24;
	v23 =	vld [tilespmem:s28+$0x650];
	v12 =	vadd.f32 v15, v13;
	v15 =	vimm.f32 $0.0e+00;
	v14 =	vimm.f32 $0.0e+00  }
.LBB2_3:
0x147: {  	p1 =	sne.s32 s30, $0x6700;
	v13 =	vadd.f32 v20, v13;
	v20 =	vld [tilespmem:s28+$0x660];
	s28 =	sor.u32 s0, s31  }
0x148: {  	v24 =	vld [tilespmem:s28+$0x670];
	v15 =	vadd.f32 v21, v15  }
0x149: {  	v21 =	vld [tilespmem:s28+$0x200];
	v14 =	vadd.f32 v19, v14  }
0x14a: {  	v19 =	vld [tilespmem:s28+$0x210];
	v18 =	vadd.f32 v22, v18  }
0x14b: {  	v22 =	vld [tilespmem:s28+$0x220];
	v16 =	vadd.f32 v23, v16  }
0x14c: {  	v23 =	vld [tilespmem:s28+$0x230];
	v17 =	vadd.f32 v20, v17  }
0x14d: {  	v20 =	vld [tilespmem:s28+$0x240];
	v5 =	vadd.f32 v24, v5  }
0x14e: {  	v11 =	vadd.f32 v21, v11;
	v21 =	vld [tilespmem:s28+$0x250]  }
0x14f: {  	v6 =	vadd.f32 v19, v6;
	v19 =	vld [tilespmem:s28+$0x260]  }
0x150: {  	v7 =	vadd.f32 v22, v7;
	v22 =	vld [tilespmem:s28+$0x270]  }
0x151: {  	v3 =	vadd.f32 v23, v3;
	v23 =	vld [tilespmem:s28+$0x600]  }
.Ltmp0:
0x152: {  	v8 =	vadd.f32 v20, v8;
	v20 =	vld [tilespmem:s28+$0x610];
	(pc) =	sbr.rel @p1 .LBB2_3-.Ltmp0, $4  }
0x153: {  	v4 =	vadd.f32 v21, v4;
	v21 =	vld [tilespmem:s28+$0x620]  }
0x154: {  	v9 =	vadd.f32 v19, v9;
	v19 =	vld [tilespmem:s28+$0x630]  }
0x155: {  	s29 =	sadd.s32 $0x80, s29;
	v10 =	vadd.f32 v22, v10;
	v22 =	vld [tilespmem:s28+$0x640]  }
0x156: {  	s31 =	sand.u32 $0x7800, s30;
	s30 =	sadd.s32 $0x100, s30;
	s0 =	sand.u32 $0x380, s29;
	v12 =	vadd.f32 v23, v12;
	v23 =	vld [tilespmem:s28+$0x650]  }
0x157: {  	s0 =	sor.u32 s0, s31;
	v24 =	vld [tilespmem:s28+$0x660]  }
0x158: {  	v25 =	vld [tilespmem:s0+$0x670]  }
0x159: {  	v26 =	vld [tilespmem:s0+$0x200]  }
0x15a: {  	v27 =	vld [tilespmem:s0+$0x210]  }
0x15b: {  	v28 =	vld [tilespmem:s0+$0x220]  }
0x15c: {  	v29 =	vld [tilespmem:s0+$0x230]  }
0x15d: {  	v30 =	vld [tilespmem:s0+$0x240]  }
0x15e: {  	v31 =	vld [tilespmem:s0+$0x250]  }
0x15f: {  	v32 =	vld [tilespmem:s0+$0x260]  }
0x160: {  	v33 =	vld [tilespmem:s0+$0x270]  }
0x161: {  	v34 =	vld [tilespmem:s0+$0x600]  }
0x162: {  	v35 =	vld [tilespmem:s0+$0x610]  }
0x163: {  	v36 =	vld [tilespmem:s0+$0x620]  }
0x164: {  	v37 =	vld [tilespmem:s0+$0x630]  }
0x165: {  	v38 =	vld [tilespmem:s0+$0x640]  }
0x166: {  	v39 =	vld [tilespmem:s0+$0x650]  }
0x167: {  	v13 =	vadd.f32 v20, v13;
	s25 =	sor.u32 s26, s25;
	v15 =	vadd.f32 v21, v15;
	v20 =	vld [tilespmem:s0+$0x660]  }
0x168: {  	v21 =	vld [tilespmem:s25+$0x6A00];
	v14 =	vadd.f32 v19, v14;
	v18 =	vadd.f32 v22, v18  }
0x169: {  	v55 =	vld [tilespmem:s25+$0x6A20];
	v16 =	vadd.f32 v23, v16;
	v17 =	vadd.f32 v24, v17  }
0x16a: {  	v58 =	vld [tilespmem:s25+$0x6A30];
	v22 =	vadd.f32 v25, v5;
	v11 =	vadd.f32 v26, v11  }
0x16b: {  	v61 =	vld [tilespmem:s25+$0x6A40];
	v53 =	vadd.f32 v27, v6;
	v54 =	vadd.f32 v28, v7  }
0x16c: {  	v62 =	vld [tilespmem:s25+$0x6A60];
	v56 =	vadd.f32 v29, v3;
	v57 =	vadd.f32 v30, v8  }
0x16d: {  	v19 =	vld [tilespmem:s25+$0x6E70];
	v59 =	vadd.f32 v31, v4;
	v60 =	vadd.f32 v32, v9  }
0x16e: {  	v63 =	vld [tilespmem:s25+$0x6E00];
	v33 =	vadd.f32 v33, v10;
	v34 =	vadd.f32 v34, v12  }
0x16f: {  	v23 =	vld [tilespmem:s25+$0x6A10];
	v9 =	vadd.f32 v35, v13;
	v8 =	vadd.f32 v36, v15  }
0x170: {  	v10 =	vld [tilespmem:s25+$0x6A50];
	v7 =	vadd.f32 v37, v14;
	v6 =	vadd.f32 v38, v18  }
0x171: {  	v14 =	vld [tilespmem:s25+$0x6A70];
	v5 =	vadd.f32 v39, v16;
	v4 =	vadd.f32 v20, v17  }
0x172: {  	v3 =	vadd.f32 v19, v22;
	v17 =	vadd.f32 v21, v11;
	v22 =	vld [tilespmem:s25+$0x6E10]  }
0x173: {  	v15 =	vadd.f32 v55, v54;
	v19 =	vld [tilespmem:s25+$0x6E20];
	v16 =	vadd.f32 v58, v56  }
0x174: {  	v20 =	vld [tilespmem:s25+$0x6E30];
	v12 =	vadd.f32 v61, v57;
	v18 =	vadd.f32 v23, v53  }
0x175: {  	s26 =	simm.s32 $0x80;
	v21 =	vld [tilespmem:s25+$0x6E40];
	v13 =	vadd.f32 v10, v59;
	v10 =	vadd.f32 v62, v60  }
0x176: {  	s0 =	sand.u32 $0x7800, s24;
	s28 =	sand.u32 $0x380, s26;
	s24 =	simm.s32 $0x200;
	v23 =	vld [tilespmem:s25+$0x6E50];
	v11 =	vadd.f32 v14, v33;
	v14 =	vadd.f32 v63, v34  }
.LBB2_5:
0x177: {  	p1 =	sne.s32 s24, $0x5F00;
	v9 =	vadd.f32 v22, v9;
	v22 =	vld [tilespmem:s25+$0x6E60];
	s25 =	sor.u32 s28, s0  }
0x178: {  	v24 =	vld [tilespmem:s25+$0x6E70];
	v8 =	vadd.f32 v19, v8  }
0x179: {  	v19 =	vld [tilespmem:s25+$0x6A00];
	v7 =	vadd.f32 v20, v7  }
0x17a: {  	v20 =	vld [tilespmem:s25+$0x6A10];
	v6 =	vadd.f32 v21, v6  }
0x17b: {  	v21 =	vld [tilespmem:s25+$0x6A20];
	v5 =	vadd.f32 v23, v5  }
0x17c: {  	v23 =	vld [tilespmem:s25+$0x6A30];
	v4 =	vadd.f32 v22, v4  }
0x17d: {  	v22 =	vld [tilespmem:s25+$0x6A40];
	v3 =	vadd.f32 v24, v3  }
0x17e: {  	v17 =	vadd.f32 v19, v17;
	v19 =	vld [tilespmem:s25+$0x6A50]  }
0x17f: {  	v18 =	vadd.f32 v20, v18;
	v20 =	vld [tilespmem:s25+$0x6A60]  }
0x180: {  	v15 =	vadd.f32 v21, v15;
	v21 =	vld [tilespmem:s25+$0x6A70]  }
0x181: {  	v16 =	vadd.f32 v23, v16;
	v23 =	vld [tilespmem:s25+$0x6E00]  }
.Ltmp1:
0x182: {  	v12 =	vadd.f32 v22, v12;
	v22 =	vld [tilespmem:s25+$0x6E10];
	(pc) =	sbr.rel @p1 .LBB2_5-.Ltmp1, $4  }
0x183: {  	v13 =	vadd.f32 v19, v13;
	v19 =	vld [tilespmem:s25+$0x6E20]  }
0x184: {  	v10 =	vadd.f32 v20, v10;
	v20 =	vld [tilespmem:s25+$0x6E30]  }
0x185: {  	s26 =	sadd.s32 $0x80, s26;
	v11 =	vadd.f32 v21, v11;
	v21 =	vld [tilespmem:s25+$0x6E40]  }
0x186: {  	s0 =	sand.u32 $0x7800, s24;
	s24 =	sadd.s32 $0x100, s24;
	s28 =	sand.u32 $0x380, s26;
	v14 =	vadd.f32 v23, v14;
	v23 =	vld [tilespmem:s25+$0x6E50]  }
0x187: {  	s0 =	sor.u32 s28, s0  }
0x188: {  	v25 =	vld [tilespmem:s0+$0x6E70]  }
0x189: {  	v26 =	vld [tilespmem:s0+$0x6A00]  }
0x18a: {  	v27 =	vld [tilespmem:s0+$0x6A10]  }
0x18b: {  	v28 =	vld [tilespmem:s0+$0x6A20]  }
0x18c: {  	v29 =	vld [tilespmem:s0+$0x6A30]  }
0x18d: {  	v30 =	vld [tilespmem:s0+$0x6A40]  }
0x18e: {  	v31 =	vld [tilespmem:s0+$0x6A50]  }
0x18f: {  	v32 =	vld [tilespmem:s0+$0x6A60]  }
0x190: {  	v33 =	vld [tilespmem:s0+$0x6A70]  }
0x191: {  	v34 =	vld [tilespmem:s0+$0x6E00]  }
0x192: {  	v35 =	vld [tilespmem:s0+$0x6E10]  }
0x193: {  	v36 =	vld [tilespmem:s0+$0x6E20]  }
0x194: {  	v37 =	vld [tilespmem:s0+$0x6E30]  }
0x195: {  	v38 =	vld [tilespmem:s0+$0x6E40]  }
0x196: {  	p1 =	seq.s32 s21, $0x0;
	v39 =	vld [tilespmem:s0+$0x6E50]  }
0x197: {  	v40 =	vld [tilespmem:s0+$0x6E60];
	s0 =	simm.s32 @!p1 $0x4  }
0x198: {  	v24 =	vld [tilespmem:s25+$0x6E60];
	_ =	swait.ge @!p1 [sflag:s0], $0x100  }
0x199: {  	[sflag:s0] =	ssyncset.done @!p1 $0x0;
	v17 =	vadd.f32 v26, v17  }
0x19a: {  	[sflag:s0] =	ssyncadd.s32 @!p1 $0xFFFFFF00;
	v18 =	vadd.f32 v27, v18  }
0x19b: {  	v15 =	vadd.f32 v28, v15;
	[tilespmem:$0x19200] =	vst v17  }
0x19c: {  	v16 =	vadd.f32 v29, v16;
	[tilespmem:$0x19210] =	vst v18  }
0x19d: {  	v12 =	vadd.f32 v30, v12;
	[tilespmem:$0x19220] =	vst v15  }
0x19e: {  	v13 =	vadd.f32 v31, v13;
	[tilespmem:$0x19230] =	vst v16  }
0x19f: {  	v10 =	vadd.f32 v32, v10;
	[tilespmem:$0x19240] =	vst v12  }
0x1a0: {  	v9 =	vadd.f32 v22, v9;
	v11 =	vadd.f32 v33, v11;
	[tilespmem:$0x19250] =	vst v13  }
0x1a1: {  	v8 =	vadd.f32 v19, v8;
	v63 =	vadd.f32 v34, v14;
	[tilespmem:$0x19260] =	vst v10  }
0x1a2: {  	v7 =	vadd.f32 v20, v7;
	v9 =	vadd.f32 v35, v9;
	[tilespmem:$0x19270] =	vst v11  }
0x1a3: {  	v6 =	vadd.f32 v21, v6;
	v8 =	vadd.f32 v36, v8;
	[tilespmem:$0x19280] =	vst v63  }
0x1a4: {  	v5 =	vadd.f32 v23, v5;
	v7 =	vadd.f32 v37, v7;
	[tilespmem:$0x19290] =	vst v9  }
0x1a5: {  	v6 =	vadd.f32 v38, v6;
	[tilespmem:$0x192A0] =	vst v8  }
0x1a6: {  	v4 =	vadd.f32 v24, v4;
	v5 =	vadd.f32 v39, v5;
	[tilespmem:$0x192B0] =	vst v7  }
.Ltmp2:
0x1a7: {  	s31 =	sshll.u32 s21, $0x5;
	v3 =	vadd.f32 v25, v3;
	[tilespmem:$0x192C0] =	vst v6;
	(pc) =	sbr.rel @p0 .LBB2_8-.Ltmp2, $4  }
0x1a8: {  	s22 =	sshll.u32 s22, $0x5;
	s0 =	sand.u32 $0x60, s31;
	v4 =	vadd.f32 v40, v4;
	[tilespmem:$0x192D0] =	vst v5  }
0x1a9: {  	s22 =	sand.u32 $0x7FF00, s22;
	s0 =	sadd.s32 s7, s0;
	[tilespmem:$0x192F0] =	vst v3  }
0x1aa: {  	s0 =	sadd.s32 s22, s0;
	[tilespmem:$0x192E0] =	vst v4  }
0x1ab: {  	[hbm4b:s0+s10] =	stream.strided.scatter [tilespmem:s18], [sflag:$0x4], $0x100, s11, s10, $0x38;
	[tilespmem:$0x19400] =	vst v63  }
0x1ac: {  	_ =	swait.ge [sflag:s14], $0x100  }
0x1ad: {  	[sflag:s14] =	ssyncset.done $0x0  }
0x1ae: {  	[sflag:s14] =	ssyncadd.s32 $0xFFFFFF00  }
0x1af: {  	v3 =	vld [tilespmem:$0x0];
	_ =	sdelay $0x4  }
0x1b0: {  	v4 =	vshll.u32 v3, $0x1  }
0x1b1: {  	v3 =	vand.u32 $0x7, v3;
	v4 =	vand.u32 $0xFFFFFFF0, v4  }
0x1b2: {  	v3 =	vor.u32 v3, v4  }
0x1b3: {  	v4 =	vperm.xlane v3, v0;
	_ =	sdelay $0x1  }
0x1b4: {  	v3 =	vperm.xlane v3, v2;
	v4 =	vadd.s32 v1, v4;
	_ =	sdelay $0x1  }
0x1b5: {  	v3 =	vadd.s32 v1, v3;
	_ =	sdelay $0x1  }
0x1b6: {  	s0 =	simm.s32 $0x200  }
0x1b7: {  	[tilespmem:s0], [sflag:$0x2] =	stream.indirect_vreg.gather [hbm4b:s5+s2], $0x80, v4, vm0, $0xb8;
	[tilespmem:$0x19400] =	vst v63  }
0x1b8: {  	s29 =	simm.s32 $0xA00  }
0x1b9: {  	[tilespmem:s29], [sflag:$0x2] =	stream.indirect_vreg.gather [hbm4b:s5+s2], $0x80, v3, vm0, $0xb8;
	[tilespmem:$0x19400] =	vst v63  }
0x1ba: {  	v3 =	vld [tilespmem:$0x10];
	_ =	sdelay $0x4  }
0x1bb: {  	v52 =	vshll.u32 v3, $0x1  }
0x1bc: {  	v3 =	vand.u32 $0x7, v3;
	v4 =	vand.u32 $0xFFFFFFF0, v52  }
0x1bd: {  	v3 =	vor.u32 v3, v4  }
0x1be: {  	v4 =	vperm.xlane v3, v0;
	_ =	sdelay $0x1  }
0x1bf: {  	v3 =	vperm.xlane v3, v2;
	v4 =	vadd.s32 v1, v4;
	_ =	sdelay $0x1  }
0x1c0: {  	v3 =	vadd.s32 v1, v3;
	_ =	sdelay $0x1  }
0x1c1: {  	s30 =	simm.s32 $0x1200  }
0x1c2: {  	[tilespmem:s30], [sflag:$0x2] =	stream.indirect_vreg.gather [hbm4b:s5+s2], $0x80, v4, vm0, $0xb8;
	[tilespmem:$0x19400] =	vst v63  }
0x1c3: {  	s31 =	simm.s32 $0x1A00  }
0x1c4: {  	[tilespmem:s31], [sflag:$0x2] =	stream.indirect_vreg.gather [hbm4b:s5+s2], $0x80, v3, vm0, $0xb8;
	[tilespmem:$0x19400] =	vst v63  }
0x1c5: {  	v3 =	vld [tilespmem:$0x20];
	_ =	sdelay $0x4  }
0x1c6: {  	v53 =	vshll.u32 v3, $0x1  }
0x1c7: {  	v3 =	vand.u32 $0x7, v3;
	v4 =	vand.u32 $0xFFFFFFF0, v53  }
0x1c8: {  	v3 =	vor.u32 v3, v4  }
0x1c9: {  	v4 =	vperm.xlane v3, v0;
	_ =	sdelay $0x1  }
0x1ca: {  	v3 =	vperm.xlane v3, v2;
	v4 =	vadd.s32 v1, v4;
	_ =	sdelay $0x1  }
0x1cb: {  	v3 =	vadd.s32 v1, v3;
	_ =	sdelay $0x1  }
0x1cc: {  	s24 =	simm.s32 $0x2200  }
0x1cd: {  	[tilespmem:s24], [sflag:$0x2] =	stream.indirect_vreg.gather [hbm4b:s5+s2], $0x80, v4, vm0, $0xb8;
	[tilespmem:$0x19400] =	vst v63  }
0x1ce: {  	s25 =	simm.s32 $0x2A00  }
0x1cf: {  	[tilespmem:s25], [sflag:$0x2] =	stream.indirect_vreg.gather [hbm4b:s5+s2], $0x80, v3, vm0, $0xb8;
	[tilespmem:$0x19400] =	vst v63  }
0x1d0: {  	v3 =	vld [tilespmem:$0x30];
	_ =	sdelay $0x4  }
0x1d1: {  	v54 =	vshll.u32 v3, $0x1  }
0x1d2: {  	v3 =	vand.u32 $0x7, v3;
	v4 =	vand.u32 $0xFFFFFFF0, v54  }
0x1d3: {  	v3 =	vor.u32 v3, v4  }
0x1d4: {  	v4 =	vperm.xlane v3, v0;
	_ =	sdelay $0x1  }
0x1d5: {  	v3 =	vperm.xlane v3, v2;
	v4 =	vadd.s32 v1, v4;
	_ =	sdelay $0x1  }
0x1d6: {  	v3 =	vadd.s32 v1, v3;
	_ =	sdelay $0x1  }
0x1d7: {  	s26 =	simm.s32 $0x3200  }
0x1d8: {  	[tilespmem:s26], [sflag:$0x2] =	stream.indirect_vreg.gather [hbm4b:s5+s2], $0x80, v4, vm0, $0xb8;
	[tilespmem:$0x19400] =	vst v63  }
0x1d9: {  	s28 =	simm.s32 $0x3A00  }
0x1da: {  	[tilespmem:s28], [sflag:$0x2] =	stream.indirect_vreg.gather [hbm4b:s5+s2], $0x80, v3, vm0, $0xb8;
	[tilespmem:$0x19400] =	vst v63  }
0x1db: {  	v3 =	vld [tilespmem:$0x40];
	_ =	sdelay $0x4  }
0x1dc: {  	v55 =	vshll.u32 v3, $0x1  }
0x1dd: {  	v3 =	vand.u32 $0x7, v3;
	v4 =	vand.u32 $0xFFFFFFF0, v55  }
0x1de: {  	v3 =	vor.u32 v3, v4  }
0x1df: {  	v4 =	vperm.xlane v3, v0;
	_ =	sdelay $0x1  }
0x1e0: {  	v3 =	vperm.xlane v3, v2;
	v4 =	vadd.s32 v1, v4;
	_ =	sdelay $0x1  }
0x1e1: {  	v3 =	vadd.s32 v1, v3;
	_ =	sdelay $0x1  }
0x1e2: {  	s29 =	simm.s32 $0x4200  }
0x1e3: {  	[tilespmem:s29], [sflag:$0x2] =	stream.indirect_vreg.gather [hbm4b:s5+s2], $0x80, v4, vm0, $0xb8;
	[tilespmem:$0x19400] =	vst v63  }
0x1e4: {  	s30 =	simm.s32 $0x4A00  }
0x1e5: {  	[tilespmem:s30], [sflag:$0x2] =	stream.indirect_vreg.gather [hbm4b:s5+s2], $0x80, v3, vm0, $0xb8;
	[tilespmem:$0x19400] =	vst v63  }
0x1e6: {  	v3 =	vld [tilespmem:$0x50];
	_ =	sdelay $0x4  }
0x1e7: {  	v56 =	vshll.u32 v3, $0x1  }
0x1e8: {  	v3 =	vand.u32 $0x7, v3;
	v4 =	vand.u32 $0xFFFFFFF0, v56  }
0x1e9: {  	v3 =	vor.u32 v3, v4  }
0x1ea: {  	v4 =	vperm.xlane v3, v0;
	_ =	sdelay $0x1  }
0x1eb: {  	v3 =	vperm.xlane v3, v2;
	v4 =	vadd.s32 v1, v4;
	_ =	sdelay $0x1  }
0x1ec: {  	v3 =	vadd.s32 v1, v3;
	_ =	sdelay $0x1  }
0x1ed: {  	s31 =	simm.s32 $0x5200  }
0x1ee: {  	[tilespmem:s31], [sflag:$0x2] =	stream.indirect_vreg.gather [hbm4b:s5+s2], $0x80, v4, vm0, $0xb8;
	[tilespmem:$0x19400] =	vst v63  }
0x1ef: {  	s24 =	simm.s32 $0x5A00  }
0x1f0: {  	[tilespmem:s24], [sflag:$0x2] =	stream.indirect_vreg.gather [hbm4b:s5+s2], $0x80, v3, vm0, $0xb8;
	[tilespmem:$0x19400] =	vst v63  }
0x1f1: {  	v3 =	vld.msk [tilespmem:$0x60], $0xff;
	_ =	sdelay $0x4  }
0x1f2: {  	v57 =	vshll.u32 v3, $0x1  }
0x1f3: {  	v3 =	vand.u32 $0x7, v3;
	v4 =	vand.u32 $0xFFFFFFF0, v57  }
0x1f4: {  	v3 =	vor.u32 v3, v4  }
0x1f5: {  	v3 =	vperm.xlane v3, v0;
	_ =	sdelay $0x1  }
0x1f6: {  	v3 =	vadd.s32 v1, v3;
	_ =	sdelay $0x3  }
0x1f7: {  	s25 =	simm.s32 $0x6200  }
0x1f8: {  	[tilespmem:s25], [sflag:$0x2] =	stream.indirect_vreg.gather [hbm4b:s5+s2], $0x80, v3, vm0, $0xb8;
	[tilespmem:$0x19400] =	vst v63  }
0x1f9: {  	v3 =	vld [tilespmem:$0x68];
	_ =	sdelay $0x4  }
0x1fa: {  	v58 =	vshll.u32 v3, $0x1  }
0x1fb: {  	v3 =	vand.u32 $0x7, v3;
	v4 =	vand.u32 $0xFFFFFFF0, v58  }
0x1fc: {  	v3 =	vor.u32 v3, v4  }
0x1fd: {  	v4 =	vperm.xlane v3, v0;
	_ =	sdelay $0x1  }
0x1fe: {  	v3 =	vperm.xlane v3, v2;
	v4 =	vadd.s32 v1, v4;
	_ =	sdelay $0x1  }
0x1ff: {  	v3 =	vadd.s32 v1, v3;
	_ =	sdelay $0x1  }
0x200: {  	s26 =	simm.s32 $0x6A00  }
0x201: {  	[tilespmem:s26], [sflag:$0x2] =	stream.indirect_vreg.gather [hbm4b:s5+s2], $0x80, v4, vm0, $0xb8;
	[tilespmem:$0x19400] =	vst v63  }
0x202: {  	s28 =	simm.s32 $0x7200  }
0x203: {  	[tilespmem:s28], [sflag:$0x2] =	stream.indirect_vreg.gather [hbm4b:s5+s2], $0x80, v3, vm0, $0xb8;
	[tilespmem:$0x19400] =	vst v63  }
0x204: {  	v3 =	vld [tilespmem:$0x78];
	_ =	sdelay $0x4  }
0x205: {  	v59 =	vshll.u32 v3, $0x1  }
0x206: {  	v3 =	vand.u32 $0x7, v3;
	v4 =	vand.u32 $0xFFFFFFF0, v59  }
0x207: {  	v3 =	vor.u32 v3, v4  }
0x208: {  	v4 =	vperm.xlane v3, v0;
	_ =	sdelay $0x1  }
0x209: {  	v3 =	vperm.xlane v3, v2;
	v4 =	vadd.s32 v1, v4;
	_ =	sdelay $0x1  }
0x20a: {  	v3 =	vadd.s32 v1, v3;
	_ =	sdelay $0x1  }
0x20b: {  	s29 =	simm.s32 $0x7A00  }
0x20c: {  	[tilespmem:s29], [sflag:$0x2] =	stream.indirect_vreg.gather [hbm4b:s5+s2], $0x80, v4, vm0, $0xb8;
	[tilespmem:$0x19400] =	vst v63  }
0x20d: {  	s30 =	simm.s32 $0x8200  }
0x20e: {  	[tilespmem:s30], [sflag:$0x2] =	stream.indirect_vreg.gather [hbm4b:s5+s2], $0x80, v3, vm0, $0xb8;
	[tilespmem:$0x19400] =	vst v63  }
0x20f: {  	v3 =	vld [tilespmem:$0x88];
	_ =	sdelay $0x4  }
0x210: {  	v60 =	vshll.u32 v3, $0x1  }
0x211: {  	v3 =	vand.u32 $0x7, v3;
	v4 =	vand.u32 $0xFFFFFFF0, v60  }
0x212: {  	v3 =	vor.u32 v3, v4  }
0x213: {  	v4 =	vperm.xlane v3, v0;
	_ =	sdelay $0x1  }
0x214: {  	v3 =	vperm.xlane v3, v2;
	v4 =	vadd.s32 v1, v4;
	_ =	sdelay $0x1  }
0x215: {  	v3 =	vadd.s32 v1, v3;
	_ =	sdelay $0x1  }
0x216: {  	s31 =	simm.s32 $0x8A00  }
0x217: {  	[tilespmem:s31], [sflag:$0x2] =	stream.indirect_vreg.gather [hbm4b:s5+s2], $0x80, v4, vm0, $0xb8;
	[tilespmem:$0x19400] =	vst v63  }
0x218: {  	s24 =	simm.s32 $0x9200  }
0x219: {  	[tilespmem:s24], [sflag:$0x2] =	stream.indirect_vreg.gather [hbm4b:s5+s2], $0x80, v3, vm0, $0xb8;
	[tilespmem:$0x19400] =	vst v63  }
0x21a: {  	v3 =	vld [tilespmem:$0x98];
	_ =	sdelay $0x4  }
0x21b: {  	v61 =	vshll.u32 v3, $0x1  }
0x21c: {  	v3 =	vand.u32 $0x7, v3;
	v4 =	vand.u32 $0xFFFFFFF0, v61  }
0x21d: {  	v3 =	vor.u32 v3, v4  }
0x21e: {  	v4 =	vperm.xlane v3, v0;
	_ =	sdelay $0x1  }
0x21f: {  	v3 =	vperm.xlane v3, v2;
	v4 =	vadd.s32 v1, v4;
	_ =	sdelay $0x1  }
0x220: {  	v3 =	vadd.s32 v1, v3;
	_ =	sdelay $0x1  }
0x221: {  	s25 =	simm.s32 $0x9A00  }
0x222: {  	[tilespmem:s25], [sflag:$0x2] =	stream.indirect_vreg.gather [hbm4b:s5+s2], $0x80, v4, vm0, $0xb8;
	[tilespmem:$0x19400] =	vst v63  }
0x223: {  	s26 =	simm.s32 $0xA200  }
0x224: {  	[tilespmem:s26], [sflag:$0x2] =	stream.indirect_vreg.gather [hbm4b:s5+s2], $0x80, v3, vm0, $0xb8;
	[tilespmem:$0x19400] =	vst v63  }
0x225: {  	v3 =	vld [tilespmem:$0xA8];
	_ =	sdelay $0x4  }
0x226: {  	v62 =	vshll.u32 v3, $0x1  }
0x227: {  	v3 =	vand.u32 $0x7, v3;
	v4 =	vand.u32 $0xFFFFFFF0, v62  }
0x228: {  	v3 =	vor.u32 v3, v4  }
0x229: {  	v4 =	vperm.xlane v3, v0;
	_ =	sdelay $0x1  }
0x22a: {  	v3 =	vperm.xlane v3, v2;
	v4 =	vadd.s32 v1, v4;
	_ =	sdelay $0x1  }
0x22b: {  	v3 =	vadd.s32 v1, v3;
	_ =	sdelay $0x1  }
0x22c: {  	s28 =	simm.s32 $0xAA00  }
0x22d: {  	[tilespmem:s28], [sflag:$0x2] =	stream.indirect_vreg.gather [hbm4b:s5+s2], $0x80, v4, vm0, $0xb8;
	[tilespmem:$0x19400] =	vst v63  }
0x22e: {  	s29 =	simm.s32 $0xB200  }
0x22f: {  	[tilespmem:s29], [sflag:$0x2] =	stream.indirect_vreg.gather [hbm4b:s5+s2], $0x80, v3, vm0, $0xb8;
	[tilespmem:$0x19400] =	vst v63  }
0x230: {  	v3 =	vld [tilespmem:$0xB8];
	_ =	sdelay $0x4  }
0x231: {  	v63 =	vshll.u32 v3, $0x1  }
0x232: {  	v3 =	vand.u32 $0x7, v3;
	v4 =	vand.u32 $0xFFFFFFF0, v63  }
0x233: {  	v3 =	vor.u32 v3, v4  }
0x234: {  	v4 =	vperm.xlane v3, v0;
	_ =	sdelay $0x1  }
0x235: {  	v3 =	vperm.xlane v3, v2;
	v4 =	vadd.s32 v1, v4;
	_ =	sdelay $0x1  }
0x236: {  	v3 =	vadd.s32 v1, v3;
	_ =	sdelay $0x1  }
0x237: {  	s30 =	simm.s32 $0xBA00  }
0x238: {  	[tilespmem:s30], [sflag:$0x2] =	stream.indirect_vreg.gather [hbm4b:s5+s2], $0x80, v4, vm0, $0xb8;
	[tilespmem:$0x19400] =	vst v63  }
0x239: {  	s31 =	simm.s32 $0xC200  }
0x23a: {  	[tilespmem:s31], [sflag:$0x2] =	stream.indirect_vreg.gather [hbm4b:s5+s2], $0x80, v3, vm0, $0xb8;
	[tilespmem:$0x19400] =	vst v63  }
.LBB2_8:
0x23b: {  	s23 =	sor.u32 $0x1, s23  }
0x23c: {  	_ =	swait.ge [sflag:s19], $0x6800;
	s0 =	sor.u32 @!p0 s3, s23  }
0x23d: {  	s25 =	simm.s32 @!p0 $0x400;
	[sflag:s19] =	ssyncset.done $0x0;
	s0 =	sadd.s32 @!p0 $0x2, s0  }
0x23e: {  	s26 =	simm.s32 @!p0 $0x100;
	[sflag:s19] =	ssyncadd.s32 $0xFFFF9800;
	s24 =	sshll.u32 @!p0 s0, $0x4  }
0x23f: {  	_ =	swait.ge [sflag:s19], $0x6000;
	s0 =	sshll.u32 @!p0 s0, $0x5;
	s24 =	sand.u32 @!p0 $0x70, s24  }
0x240: {  	[sflag:s19] =	ssyncset.done $0x0;
	s0 =	sand.u32 @!p0 $0xFFFFF00, s0;
	s24 =	sadd.s32 @!p0 s4, s24  }
0x241: {  	[sflag:s19] =	ssyncadd.s32 $0xFFFFA000;
	s0 =	sadd.s32 @!p0 s0, s24;
	s24 =	simm.s32 @!p0 $0x80  }
0x242: {  	[tilespmem:s26], [sflag:$0x1] =	stream.strided.gather @!p0 [hbm4b:s0+s24], $0x100, s25, s24, $0x38;
	[tilespmem:$0x19400] =	vst v63  }
0x243: {  	s26 =	simm.s32 $0x0  }
0x244: {  	s25 =	sand.u32 $0x7800, s26;
	s26 =	sand.u32 $0x380, s26  }
0x245: {  	s28 =	sor.u32 s26, s25  }
0x246: {  	v3 =	vld [tilespmem:s28+$0xCE70]  }
0x247: {  	v4 =	vld [tilespmem:s28+$0xCA00]  }
0x248: {  	v6 =	vld [tilespmem:s28+$0xCA10]  }
0x249: {  	v7 =	vld [tilespmem:s28+$0xCA20]  }
0x24a: {  	v8 =	vld [tilespmem:s28+$0xCA30]  }
0x24b: {  	v9 =	vld [tilespmem:s28+$0xCA40]  }
0x24c: {  	v10 =	vld [tilespmem:s28+$0xCA50]  }
0x24d: {  	v12 =	vld [tilespmem:s28+$0xCA60]  }
0x24e: {  	v13 =	vimm.f32 $0.0e+00;
	v14 =	vld [tilespmem:s28+$0xCA70]  }
0x24f: {  	v15 =	vld [tilespmem:s28+$0xCE00];
	v5 =	vadd.f32 v3, v13  }
0x250: {  	v20 =	vld [tilespmem:s28+$0xCE10];
	v11 =	vadd.f32 v4, v13;
	v6 =	vadd.f32 v6, v13  }
0x251: {  	v18 =	vimm.f32 $0.0e+00;
	v21 =	vld [tilespmem:s28+$0xCE20];
	v7 =	vadd.f32 v7, v13;
	v3 =	vadd.f32 v8, v13  }
0x252: {  	v16 =	vimm.f32 $0.0e+00;
	v19 =	vld [tilespmem:s28+$0xCE30];
	v8 =	vadd.f32 v9, v13;
	v4 =	vadd.f32 v10, v13  }
0x253: {  	s29 =	simm.s32 $0x80;
	v17 =	vimm.f32 $0.0e+00;
	s24 =	simm.s32 $0x100;
	v22 =	vld [tilespmem:s28+$0xCE40];
	v9 =	vadd.f32 v12, v13;
	v10 =	vadd.f32 v14, v13  }
0x254: {  	s30 =	simm.s32 $0x200;
	s0 =	sand.u32 $0x380, s29;
	s31 =	sand.u32 $0x7800, s24;
	v23 =	vld [tilespmem:s28+$0xCE50];
	v12 =	vadd.f32 v15, v13;
	v15 =	vimm.f32 $0.0e+00;
	v14 =	vimm.f32 $0.0e+00  }
.LBB2_9:
0x255: {  	p0 =	sne.s32 s30, $0x6700;
	v13 =	vadd.f32 v20, v13;
	v20 =	vld [tilespmem:s28+$0xCE60];
	s28 =	sor.u32 s0, s31  }
0x256: {  	v24 =	vld [tilespmem:s28+$0xCE70];
	v15 =	vadd.f32 v21, v15  }
0x257: {  	v21 =	vld [tilespmem:s28+$0xCA00];
	v14 =	vadd.f32 v19, v14  }
0x258: {  	v19 =	vld [tilespmem:s28+$0xCA10];
	v18 =	vadd.f32 v22, v18  }
0x259: {  	v22 =	vld [tilespmem:s28+$0xCA20];
	v16 =	vadd.f32 v23, v16  }
0x25a: {  	v23 =	vld [tilespmem:s28+$0xCA30];
	v17 =	vadd.f32 v20, v17  }
0x25b: {  	v20 =	vld [tilespmem:s28+$0xCA40];
	v5 =	vadd.f32 v24, v5  }
0x25c: {  	v11 =	vadd.f32 v21, v11;
	v21 =	vld [tilespmem:s28+$0xCA50]  }
0x25d: {  	v6 =	vadd.f32 v19, v6;
	v19 =	vld [tilespmem:s28+$0xCA60]  }
0x25e: {  	v7 =	vadd.f32 v22, v7;
	v22 =	vld [tilespmem:s28+$0xCA70]  }
0x25f: {  	v3 =	vadd.f32 v23, v3;
	v23 =	vld [tilespmem:s28+$0xCE00]  }
.Ltmp3:
0x260: {  	v8 =	vadd.f32 v20, v8;
	v20 =	vld [tilespmem:s28+$0xCE10];
	(pc) =	sbr.rel @p0 .LBB2_9-.Ltmp3, $4  }
0x261: {  	v4 =	vadd.f32 v21, v4;
	v21 =	vld [tilespmem:s28+$0xCE20]  }
0x262: {  	v9 =	vadd.f32 v19, v9;
	v19 =	vld [tilespmem:s28+$0xCE30]  }
0x263: {  	s29 =	sadd.s32 $0x80, s29;
	v10 =	vadd.f32 v22, v10;
	v22 =	vld [tilespmem:s28+$0xCE40]  }
0x264: {  	s31 =	sand.u32 $0x7800, s30;
	s30 =	sadd.s32 $0x100, s30;
	s0 =	sand.u32 $0x380, s29;
	v12 =	vadd.f32 v23, v12;
	v23 =	vld [tilespmem:s28+$0xCE50]  }
0x265: {  	s0 =	sor.u32 s0, s31;
	v24 =	vld [tilespmem:s28+$0xCE60]  }
0x266: {  	v25 =	vld [tilespmem:s0+$0xCE70]  }
0x267: {  	v26 =	vld [tilespmem:s0+$0xCA00]  }
0x268: {  	v27 =	vld [tilespmem:s0+$0xCA10]  }
0x269: {  	v28 =	vld [tilespmem:s0+$0xCA20]  }
0x26a: {  	v29 =	vld [tilespmem:s0+$0xCA30]  }
0x26b: {  	v30 =	vld [tilespmem:s0+$0xCA40]  }
0x26c: {  	v31 =	vld [tilespmem:s0+$0xCA50]  }
0x26d: {  	v32 =	vld [tilespmem:s0+$0xCA60]  }
0x26e: {  	v33 =	vld [tilespmem:s0+$0xCA70]  }
0x26f: {  	v34 =	vld [tilespmem:s0+$0xCE00]  }
0x270: {  	v35 =	vld [tilespmem:s0+$0xCE10]  }
0x271: {  	v36 =	vld [tilespmem:s0+$0xCE20]  }
0x272: {  	v37 =	vld [tilespmem:s0+$0xCE30]  }
0x273: {  	v38 =	vld [tilespmem:s0+$0xCE40]  }
0x274: {  	v39 =	vld [tilespmem:s0+$0xCE50]  }
0x275: {  	v13 =	vadd.f32 v20, v13;
	s31 =	sor.u32 s26, s25;
	v15 =	vadd.f32 v21, v15;
	v20 =	vld [tilespmem:s0+$0xCE60]  }
0x276: {  	s25 =	sadd.s32 $0x13200, s31;
	v14 =	vadd.f32 v19, v14;
	v19 =	vld [tilespmem:s31+$0x13200];
	v18 =	vadd.f32 v22, v18  }
0x277: {  	v21 =	vld [tilespmem:s25+$0x470];
	v16 =	vadd.f32 v23, v16;
	v17 =	vadd.f32 v24, v17  }
0x278: {  	v55 =	vld [tilespmem:s25+$0x20];
	v22 =	vadd.f32 v25, v5;
	v11 =	vadd.f32 v26, v11  }
0x279: {  	v58 =	vld [tilespmem:s25+$0x30];
	v53 =	vadd.f32 v27, v6;
	v54 =	vadd.f32 v28, v7  }
0x27a: {  	v61 =	vld [tilespmem:s25+$0x40];
	v56 =	vadd.f32 v29, v3;
	v57 =	vadd.f32 v30, v8  }
0x27b: {  	v62 =	vld [tilespmem:s25+$0x60];
	v59 =	vadd.f32 v31, v4;
	v60 =	vadd.f32 v32, v9  }
0x27c: {  	v63 =	vld [tilespmem:s25+$0x400];
	v33 =	vadd.f32 v33, v10;
	v34 =	vadd.f32 v34, v12  }
0x27d: {  	v23 =	vld [tilespmem:s25+$0x10];
	v9 =	vadd.f32 v35, v13;
	v8 =	vadd.f32 v36, v15  }
0x27e: {  	v10 =	vld [tilespmem:s25+$0x50];
	v7 =	vadd.f32 v37, v14;
	v6 =	vadd.f32 v38, v18  }
0x27f: {  	v14 =	vld [tilespmem:s25+$0x70];
	v5 =	vadd.f32 v39, v16;
	v4 =	vadd.f32 v20, v17  }
0x280: {  	v15 =	vadd.f32 v19, v11;
	v3 =	vadd.f32 v21, v22;
	v22 =	vld [tilespmem:s25+$0x410]  }
0x281: {  	v16 =	vadd.f32 v55, v54;
	v19 =	vld [tilespmem:s25+$0x420];
	v17 =	vadd.f32 v58, v56  }
0x282: {  	v20 =	vld [tilespmem:s25+$0x430];
	v12 =	vadd.f32 v61, v57;
	v18 =	vadd.f32 v23, v53  }
0x283: {  	s26 =	simm.s32 $0x80;
	v21 =	vld [tilespmem:s25+$0x440];
	v13 =	vadd.f32 v10, v59;
	v10 =	vadd.f32 v62, v60  }
0x284: {  	s0 =	sand.u32 $0x7800, s24;
	s28 =	sand.u32 $0x380, s26;
	s24 =	simm.s32 $0x200;
	v23 =	vld [tilespmem:s25+$0x450];
	v11 =	vadd.f32 v14, v33;
	v14 =	vadd.f32 v63, v34  }
.LBB2_11:
0x285: {  	p0 =	sne.s32 s24, $0x5F00;
	s0 =	sor.u32 s28, s0;
	v9 =	vadd.f32 v22, v9;
	v22 =	vld [tilespmem:s25+$0x460]  }
0x286: {  	s25 =	sadd.s32 $0x13200, s0;
	v24 =	vld [tilespmem:s0+$0x13200];
	v8 =	vadd.f32 v19, v8  }
0x287: {  	v19 =	vld [tilespmem:s25+$0x470];
	v7 =	vadd.f32 v20, v7  }
0x288: {  	v20 =	vld [tilespmem:s25+$0x10];
	v6 =	vadd.f32 v21, v6  }
0x289: {  	v21 =	vld [tilespmem:s25+$0x20];
	v5 =	vadd.f32 v23, v5  }
0x28a: {  	v23 =	vld [tilespmem:s25+$0x30];
	v4 =	vadd.f32 v22, v4  }
0x28b: {  	v15 =	vadd.f32 v24, v15;
	v22 =	vld [tilespmem:s25+$0x40]  }
0x28c: {  	v24 =	vld [tilespmem:s25+$0x50];
	v3 =	vadd.f32 v19, v3  }
0x28d: {  	v18 =	vadd.f32 v20, v18;
	v20 =	vld [tilespmem:s25+$0x60]  }
0x28e: {  	v16 =	vadd.f32 v21, v16;
	v21 =	vld [tilespmem:s25+$0x70]  }
0x28f: {  	v17 =	vadd.f32 v23, v17;
	v23 =	vld [tilespmem:s25+$0x400]  }
.Ltmp4:
0x290: {  	v12 =	vadd.f32 v22, v12;
	v22 =	vld [tilespmem:s25+$0x410];
	(pc) =	sbr.rel @p0 .LBB2_11-.Ltmp4, $4  }
0x291: {  	v13 =	vadd.f32 v24, v13;
	v19 =	vld [tilespmem:s25+$0x420]  }
0x292: {  	v10 =	vadd.f32 v20, v10;
	v20 =	vld [tilespmem:s25+$0x430]  }
0x293: {  	s26 =	sadd.s32 $0x80, s26;
	v11 =	vadd.f32 v21, v11;
	v21 =	vld [tilespmem:s25+$0x440]  }
0x294: {  	s0 =	sand.u32 $0x7800, s24;
	s28 =	sand.u32 $0x380, s26;
	s24 =	sadd.s32 $0x100, s24;
	v14 =	vadd.f32 v23, v14;
	v23 =	vld [tilespmem:s25+$0x450]  }
0x295: {  	s0 =	sor.u32 s28, s0;
	v24 =	vld [tilespmem:s25+$0x460]  }
0x296: {  	s24 =	sadd.s32 $0x13200, s0;
	v25 =	vld [tilespmem:s0+$0x13200]  }
0x297: {  	v26 =	vld [tilespmem:s24+$0x470]  }
0x298: {  	v27 =	vld [tilespmem:s24+$0x10]  }
0x299: {  	v28 =	vld [tilespmem:s24+$0x20]  }
0x29a: {  	v29 =	vld [tilespmem:s24+$0x30]  }
0x29b: {  	v30 =	vld [tilespmem:s24+$0x40]  }
0x29c: {  	v31 =	vld [tilespmem:s24+$0x50]  }
0x29d: {  	v32 =	vld [tilespmem:s24+$0x60]  }
0x29e: {  	v33 =	vld [tilespmem:s24+$0x70]  }
0x29f: {  	v34 =	vld [tilespmem:s24+$0x400]  }
0x2a0: {  	v35 =	vld [tilespmem:s24+$0x410]  }
0x2a1: {  	v36 =	vld [tilespmem:s24+$0x420]  }
0x2a2: {  	v37 =	vld [tilespmem:s24+$0x430]  }
0x2a3: {  	v38 =	vld [tilespmem:s24+$0x440]  }
0x2a4: {  	s0 =	simm.s32 @!p1 $0x5;
	v39 =	vld [tilespmem:s24+$0x450]  }
0x2a5: {  	v40 =	vld [tilespmem:s24+$0x460];
	_ =	swait.ge @!p1 [sflag:s0], $0x100  }
0x2a6: {  	[sflag:s0] =	ssyncset.done @!p1 $0x0;
	v15 =	vadd.f32 v25, v15  }
0x2a7: {  	[sflag:s0] =	ssyncadd.s32 @!p1 $0xFFFFFF00;
	v18 =	vadd.f32 v27, v18  }
0x2a8: {  	v16 =	vadd.f32 v28, v16;
	[tilespmem:$0x19300] =	vst v15  }
0x2a9: {  	v62 =	vadd.f32 v29, v17;
	[tilespmem:$0x19310] =	vst v18  }
0x2aa: {  	v12 =	vadd.f32 v30, v12;
	[tilespmem:$0x19320] =	vst v16  }
0x2ab: {  	v13 =	vadd.f32 v31, v13;
	[tilespmem:$0x19330] =	vst v62  }
0x2ac: {  	v10 =	vadd.f32 v32, v10;
	[tilespmem:$0x19340] =	vst v12  }
0x2ad: {  	v9 =	vadd.f32 v22, v9;
	v11 =	vadd.f32 v33, v11;
	[tilespmem:$0x19350] =	vst v13  }
0x2ae: {  	v8 =	vadd.f32 v19, v8;
	v63 =	vadd.f32 v34, v14;
	[tilespmem:$0x19360] =	vst v10  }
0x2af: {  	v7 =	vadd.f32 v20, v7;
	v9 =	vadd.f32 v35, v9;
	[tilespmem:$0x19370] =	vst v11  }
0x2b0: {  	v6 =	vadd.f32 v21, v6;
	v8 =	vadd.f32 v36, v8;
	[tilespmem:$0x19380] =	vst v63  }
0x2b1: {  	v5 =	vadd.f32 v23, v5;
	v7 =	vadd.f32 v37, v7;
	[tilespmem:$0x19390] =	vst v9  }
0x2b2: {  	s21 =	sadd.s32 $0x1, s21;
	v4 =	vadd.f32 v24, v4;
	v6 =	vadd.f32 v38, v6;
	[tilespmem:$0x193A0] =	vst v8  }
0x2b3: {  	p0 =	sne.s32 s21, $0x100;
	v5 =	vadd.f32 v39, v5;
	[tilespmem:$0x193B0] =	vst v7  }
.Ltmp5:
0x2b4: {  	s31 =	sshll.u32 s23, $0x4;
	v4 =	vadd.f32 v40, v4;
	[tilespmem:$0x193C0] =	vst v6;
	(pc) =	sbr.rel @p0 .LBB2_2-.Ltmp5, $4  }
0x2b5: {  	s0 =	sand.u32 $0x70, s31;
	v3 =	vadd.f32 v26, v3;
	[tilespmem:$0x193D0] =	vst v5  }
0x2b6: {  	s0 =	sadd.s32 s7, s0;
	[tilespmem:$0x193E0] =	vst v4  }
0x2b7: {  	s0 =	sadd.s32 s22, s0;
	[tilespmem:$0x193F0] =	vst v3  }
0x2b8: {  	[hbm4b:s0+s10] =	stream.strided.scatter [tilespmem:s20], [sflag:$0x5], $0x100, s11, s10, $0x38;
	[tilespmem:$0x19400] =	vst v63  }
0x2b9: {  	s0 =	simm.s32 $0x4  }
0x2ba: {  	_ =	swait.ge [sflag:s0], $0x100  }
0x2bb: {  	[sflag:s0] =	ssyncset.done $0x0  }
0x2bc: {  	s21 =	simm.s32 $0x5;
	[sflag:s0] =	ssyncadd.s32 $0xFFFFFF00  }
0x2bd: {  	_ =	swait.ge [sflag:s21], $0x100  }
0x2be: {  	s22 =	rddreg [dreg:$0x5]  }
0x2bf: {  	s31 =	rddreg [dreg:$0x4];
	s22 =	sadd.s32 $0x1, s22  }
0x2c0: {  	p0 =	sne.s32 s22, s31  }
.Ltmp6:
0x2c1: {  	_ = 	snop;
	(pc) =	sbr.rel @p0 .LBB2_1-.Ltmp6, $3  }
0x2c2: {  	_ =	sdelay $0x1  }
0x2c3: {  	[sflag:s21] =	ssyncset.done $0x0  }
0x2c4: {  	[sflag:s21] =	ssyncadd.s32 $0xFFFFFF00  }
0x2c5: {  	_ =	sfence.sel $0x180000  }
0x2c6: {  	[bflag:$0x0] =	sbarrier.arrive $0xFFFF  }
0x2c7: {  	_ =	strace $0x90000047  }
0x2c8: {  	s0 =	stileid.u32;
	[bflag:$0x2] =	sbarrier.arrive $0xFFFF  }
0x2c9: {  	p0 =	sne.s32 s0, $0x0;
	s0 =	rddreg [dreg:$0x1]  }
0x2ca: {  	s0 =	sadd.s32 @!p0 $0x100000, s0  }
0x2cb: {  	[sflag:s0] =	ssyncadd.tile.s32 @!p0 $0x1;
	_ =	shalt  }
.Lfunc_end2:
_tile_overlayer_lowered:
.L_overlay_start_2:
0x2cc: {  	(tag) =	ssettag $0x2  }
0x2cd: {  	s0 =	rddreg [dreg:$0x0];
	s2 =	stileid.u32  }
0x2ce: {  	s1 =	rddreg [dreg:$0x1];
	p0 =	sne.s32 s2, $0x0  }
0x2cf: {  	s3 =	rddreg [dreg:$0x2];
	[bflag:$0x3] =	sbarrier.arrive $0xFFFF;
	s2 =	simm.s32 @!p0 $0x1C06  }
0x2d0: {  	[timem:s3], [sflag:s2] =	dma.local @!p0 [hbm:s0], s1  }
0x2d1: {  	s0 =	simm.s32 @!p0 $0x6  }
0x2d2: {  	_ =	swait.ge @!p0 [sflag:s0], s1  }
0x2d3: {  	s1 =	ssub.s32 @!p0 $0x0, s1;
	[sflag:s0] =	ssyncset.done @!p0 $0x0  }
0x2d4: {  	[sflag:s0] =	ssyncadd.s32 @!p0 s1  }
0x2d5: {  	[bflag:$0x3] =	sbarrier.arrive $0xFFFF  }
0x2d6: {  	_ =	shalt  }

</sc_bundles>
